<compile_context>
chip_gen: v7x
topology: tpu7x:2x2x1
jax: 0.10.2.dev20260603
libtpu: 0.0.44.dev20260713+nightly
codegen_flags: <defaults>
</compile_context>

<pallas_src>
import jax
import jax.numpy as jnp
from jax import lax
from jax.experimental import pallas as pl
from jax.experimental.pallas import tpu as pltpu
from jax.experimental.pallas import tpu_sc as plsc

B = 1024
V = 100000
D = 128
H = 128
L = 200
T = 50
K = 256
TV = 2048
TVd8 = TV // 8
NV = (V + TV - 1) // TV
TVS = 4096
VP = 102400
DA = D + 1
R = 64
NC = 2
NS = 16
NW = NC * NS
RPW = B // NW
NST = 8
SW = RPW * K // NST


def _prep_body(x_ref, w1_ref, b1_ref, w2_ref, b2_ref, sc_ref, ssc_ref,
               idx_ref, sval_ref, mix0_ref):
    xc = x_ref[...]
    r = jnp.tanh(jnp.dot(xc, w1_ref[...], preferred_element_type=jnp.float32)
                 + b1_ref[...])
    g = jnp.dot(r, w2_ref[...], preferred_element_type=jnp.float32) + b2_ref[...]
    g = g - jnp.max(g, axis=1, keepdims=True)
    eg = jnp.exp(g)
    mix = eg / jnp.sum(eg, axis=1, keepdims=True)
    mix0_ref[...] = mix[:, 0:1]

    s = sc_ref[...]
    s = s - jnp.max(s, axis=1, keepdims=True)
    es = jnp.exp(s)
    al = es / jnp.sum(es, axis=1, keepdims=True)

    ss = ssc_ref[...]
    ss = ss - jnp.max(ss, axis=1, keepdims=True)
    ess = jnp.exp(ss)
    sal = ess / jnp.sum(ess, axis=1, keepdims=True)

    val = jnp.concatenate(
        [al * mix[:, 1:2], sal * mix[:, 2:3],
         jnp.zeros((R, K - L - (T - 1)), jnp.float32)], axis=1)

    idx = idx_ref[...]
    eq = idx[:, :, None] == idx[:, None, :]
    sval = jnp.sum(jnp.where(eq, val[:, None, :], 0.0), axis=2)
    sval_ref[...] = sval.reshape(2 * R, 128)


def _dotT(wb_tile, xbT):
    return lax.dot_general(wb_tile, xbT, (((0,), (0,)), ((), ())),
                           preferred_element_type=jnp.float32)


def _stats_body(xb_ref, wb_ref, m_ref, s_ref):
    j = pl.program_id(0)

    @pl.when(j == 0)
    def _():
        m_ref[...] = jnp.full((1, B), -1e30, jnp.float32)
        s_ref[...] = jnp.zeros((1, B), jnp.float32)

    l = _dotT(wb_ref[...], xb_ref[...])
    m_old = m_ref[...]
    m_new = jnp.maximum(m_old, jnp.max(l, axis=0, keepdims=True))
    p = jnp.exp(l - m_new)
    s_ref[...] = s_ref[...] * jnp.exp(m_old - m_new) + jnp.sum(
        p, axis=0, keepdims=True)
    m_ref[...] = m_new


def _emit_body(xb_ref, wb_ref, m_ref, s_ref, mix0_ref, o_ref):
    l = _dotT(wb_ref[...], xb_ref[...])
    p = jnp.exp(l - m_ref[...]) * (mix0_ref[...] / s_ref[...])
    for bt in range(B // 128):
        o_ref[:, bt, :, :] = p[:, bt * 128:(bt + 1) * 128].reshape(TVd8, 8, 128)


def _sc_body(out_hbm, fidx_hbm, sval_hbm, *rest):
    idx_b = rest[:NST]
    g_b = rest[NST:2 * NST]
    sv_v, semg, sems = rest[2 * NST:]
    c = lax.axis_index("c")
    s = lax.axis_index("s")
    wid = s * NC + c
    pltpu.sync_copy(sval_hbm.at[wid], sv_v)
    for j in range(NST):
        pltpu.sync_copy(fidx_hbm.at[wid, j], idx_b[j])
        pltpu.make_async_copy(out_hbm.at[idx_b[j]], g_b[j], semg).start()
    for j in range(NST):
        pltpu.make_async_copy(out_hbm.at[idx_b[j]], g_b[j], semg).wait()

        def addchunk(t, carry, j=j):
            sl = pl.ds(t * 16, 16)
            g_b[j][sl] = g_b[j][sl] + sv_v[j, sl]
            return carry

        lax.fori_loop(0, SW // 16, addchunk, 0)
    for j in range(NST):
        pltpu.make_async_copy(g_b[j], out_hbm.at[idx_b[j]], sems).start()
    for j in range(NST):
        pltpu.make_async_copy(g_b[j], out_hbm.at[idx_b[j]], sems).wait()


def kernel(x, scores, selfscores, ctx_ids, prev_x_tokens,
           W_gen, b_gen, W1, b1, W2, b2):
    idx_all = jnp.concatenate([ctx_ids, prev_x_tokens[:, :-1]], axis=1)
    idx_pad = jnp.pad(idx_all, ((0, 0), (0, K - idx_all.shape[1])))
    brow = jnp.arange(B, dtype=jnp.int32)[:, None]
    fidx = ((idx_pad >> 3) * 8192 + (brow >> 7) * 1024
            + (idx_pad & 7) * 128 + (brow & 127))
    fidx = fidx.reshape(NW, NST, SW)
    xbT = jnp.concatenate(
        [x.T, jnp.ones((1, B), x.dtype)], axis=0).astype(jnp.bfloat16)
    wb = jnp.concatenate([
        jnp.pad(W_gen, ((0, 0), (0, VP - V))),
        jnp.pad(b_gen, (0, VP - V), constant_values=-1e30)[None, :],
    ], axis=0).astype(jnp.bfloat16)
    b1_2 = b1.reshape(1, H)
    b2_2 = b2.reshape(1, 3)

    sval, mix0 = pl.pallas_call(
        _prep_body,
        grid=(B // R,),
        in_specs=[
            pl.BlockSpec((R, D), lambda i: (i, 0)),
            pl.BlockSpec((D, H), lambda i: (0, 0)),
            pl.BlockSpec((1, H), lambda i: (0, 0)),
            pl.BlockSpec((H, 3), lambda i: (0, 0)),
            pl.BlockSpec((1, 3), lambda i: (0, 0)),
            pl.BlockSpec((R, L), lambda i: (i, 0)),
            pl.BlockSpec((R, T - 1), lambda i: (i, 0)),
            pl.BlockSpec((R, K), lambda i: (i, 0)),
        ],
        out_specs=[
            pl.BlockSpec((2 * R, 128), lambda i: (i, 0)),
            pl.BlockSpec((R, 1), lambda i: (i, 0)),
        ],
        out_shape=[
            jax.ShapeDtypeStruct((B * K // 128, 128), jnp.float32),
            jax.ShapeDtypeStruct((B, 1), jnp.float32),
        ],
        name="ptrgen_prep",
    )(x, W1, b1_2, W2, b2_2, scores, selfscores, idx_pad)
    mix0T = mix0.T

    m, ssum = pl.pallas_call(
        _stats_body,
        grid=(VP // TVS,),
        in_specs=[
            pl.BlockSpec((DA, B), lambda j: (0, 0)),
            pl.BlockSpec((DA, TVS), lambda j: (0, j)),
        ],
        out_specs=[
            pl.BlockSpec((1, B), lambda j: (0, 0)),
            pl.BlockSpec((1, B), lambda j: (0, 0)),
        ],
        out_shape=[
            jax.ShapeDtypeStruct((1, B), jnp.float32),
            jax.ShapeDtypeStruct((1, B), jnp.float32),
        ],
        name="ptrgen_stats",
    )(xbT, wb)

    z = pl.pallas_call(
        _emit_body,
        grid=(NV,),
        in_specs=[
            pl.BlockSpec((DA, B), lambda j: (0, 0)),
            pl.BlockSpec((DA, TV), lambda j: (0, j)),
            pl.BlockSpec((1, B), lambda j: (0, 0)),
            pl.BlockSpec((1, B), lambda j: (0, 0)),
            pl.BlockSpec((1, B), lambda j: (0, 0)),
        ],
        out_specs=pl.BlockSpec((TVd8, 8, 8, 128), lambda j: (j, 0, 0, 0)),
        out_shape=jax.ShapeDtypeStruct((V // 8, 8, 8, 128), jnp.float32),
        name="ptrgen_emit",
    )(xbT, wb, m, ssum, mix0T)

    sval_w = sval.reshape(NW, NST, SW)
    sc_scatter = pl.kernel(
        _sc_body,
        out_type=(),
        mesh=plsc.VectorSubcoreMesh(core_axis_name="c", subcore_axis_name="s"),
        scratch_types=(
            [pltpu.VMEM((SW,), jnp.int32) for _ in range(NST)]
            + [pltpu.VMEM((SW,), jnp.float32) for _ in range(NST)]
            + [pltpu.VMEM((NST, SW), jnp.float32),
               pltpu.SemaphoreType.DMA,
               pltpu.SemaphoreType.DMA]
        ),
        name="ptrgen_scatter",
    )
    out_ref = jax.new_ref(z.reshape(B * V))
    sc_scatter(out_ref, fidx, sval_w)
    zf = out_ref[...]
    return zf.reshape(V // 8, 8, 8, 128).transpose(1, 3, 0, 2).reshape(B, V)

# --- scband reference (transcript-rebuilt; emitter-appended) ---
"""Pipeline reference for scband-self-pointer-generator-out-66571993088451 (READ-ONLY COPY).

The authoritative reference and input builder live on the scoring server;
editing this copy changes nothing except your own understanding.
"""

import jax, jax.numpy as jnp
import numpy as np

B = 1024
V = 100000
D = 128
H = 128
L = 200
T = 50

def setup_inputs(seed: int = 0) -> dict:
    key = jax.random.key(seed)
    ks = jax.random.split(key, 10)
    x = jax.random.normal(ks[0], (B, D), dtype=jnp.float32)
    scores = jax.random.normal(ks[1], (B, L), dtype=jnp.float32)
    selfscores = jax.random.normal(ks[2], (B, T - 1), dtype=jnp.float32)
    ctx_ids = jax.random.randint(ks[3], (B, L), 0, V, dtype=jnp.int32)
    prev_x_tokens = jax.random.randint(ks[4], (B, T), 0, V, dtype=jnp.int32)
    W_gen = jax.random.normal(ks[5], (D, V), dtype=jnp.float32) * 0.02
    b_gen = jnp.zeros((V,), dtype=jnp.float32)
    W1 = jax.random.normal(ks[6], (D, H), dtype=jnp.float32) * 0.05
    b1 = jnp.zeros((H,), dtype=jnp.float32)
    W2 = jax.random.normal(ks[7], (H, 3), dtype=jnp.float32) * 0.05
    b2 = jnp.zeros((3,), dtype=jnp.float32)
    return {"x": x, "scores": scores, "selfscores": selfscores,
            "ctx_ids": ctx_ids, "prev_x_tokens": prev_x_tokens,
            "W_gen": W_gen, "b_gen": b_gen,
            "W1": W1, "b1": b1, "W2": W2, "b2": b2}

def reference(x, scores, selfscores, ctx_ids, prev_x_tokens, W_gen, b_gen, W1, b1, W2, b2):
    # generation distribution over vocab
    out_gen = jax.nn.softmax(jnp.dot(x, W_gen) + b_gen, axis=-1)
    # copy distribution: softmax attention scores scattered into vocab slots
    alphas = jax.nn.softmax(scores, axis=-1)
    rows = jnp.arange(x.shape[0])[:, None]
    out_cpy = jnp.zeros_like(out_gen).at[rows, ctx_ids].add(alphas)
    # self-copy distribution over previously produced tokens (excluding last)
    selfalphas = jax.nn.softmax(selfscores, axis=-1)
    out_slf = jnp.zeros_like(out_gen).at[rows, prev_x_tokens[:, :-1]].add(selfalphas)
    # gate: PointerGeneratorOutGate with outdim=3 (mask is None since selfscores given)
    r = jnp.tanh(jnp.dot(x, W1) + b1)
    mix = jax.nn.softmax(jnp.dot(r, W2) + b2, axis=-1)
    out = (out_gen * mix[:, 0:1]
           + out_cpy * mix[:, 1:2]
           + out_slf * mix[:, 2:3])
    return out

if __name__ == "__main__":
    import jax
    _d = setup_inputs()
    print(jax.jit(kernel)(*tuple(_d.values())))

</pallas_src>

<mosaic_0001>
#map = affine_map<(d0, d1) -> (0)>
#map1 = affine_map<(d0, d1) -> (0, 0, 0)>
module attributes {stable_mosaic.version = 14 : i64} {
  func.func @new_body(%arg0: i32, %arg1: i32, %arg2: memref<102400000xf32, #tpu.memory_space<hbm>>, %arg3: memref<32x8x1024xi32, #tpu.memory_space<hbm>>, %arg4: memref<32x8x1024xf32, #tpu.memory_space<hbm>>, %arg5: memref<102400000xf32, #tpu.memory_space<hbm>>, %arg6: memref<1024xi32, #tpu.memory_space<vmem>>, %arg7: memref<1024xi32, #tpu.memory_space<vmem>>, %arg8: memref<1024xi32, #tpu.memory_space<vmem>>, %arg9: memref<1024xi32, #tpu.memory_space<vmem>>, %arg10: memref<1024xi32, #tpu.memory_space<vmem>>, %arg11: memref<1024xi32, #tpu.memory_space<vmem>>, %arg12: memref<1024xi32, #tpu.memory_space<vmem>>, %arg13: memref<1024xi32, #tpu.memory_space<vmem>>, %arg14: memref<1024xf32, #tpu.memory_space<vmem>>, %arg15: memref<1024xf32, #tpu.memory_space<vmem>>, %arg16: memref<1024xf32, #tpu.memory_space<vmem>>, %arg17: memref<1024xf32, #tpu.memory_space<vmem>>, %arg18: memref<1024xf32, #tpu.memory_space<vmem>>, %arg19: memref<1024xf32, #tpu.memory_space<vmem>>, %arg20: memref<1024xf32, #tpu.memory_space<vmem>>, %arg21: memref<1024xf32, #tpu.memory_space<vmem>>, %arg22: memref<8x1024xf32, #tpu.memory_space<vmem>>, %arg23: memref<!tpu.dma_semaphore, #tpu.memory_space<semaphore_mem>>, %arg24: memref<!tpu.dma_semaphore, #tpu.memory_space<semaphore_mem>>) attributes {dimension_semantics = [#tpu.dimension_semantics<core_parallel>, #tpu.dimension_semantics<subcore_parallel>], iteration_bounds = array<i64: 2, 16>, scalar_prefetch = 0 : i64, scratch_operands = 19 : i64, tpu.core_type = #tpu.core_type<sc_vector_subcore>, window_params = [{transform_indices = #map}, {transform_indices = #map1}, {transform_indices = #map1}, {transform_indices = #map}]} {
    %mul3A = arith.constant 2 : i32
    %mul3A_0 = arith.muli %arg1, %mul3A : i32
    %add3A = arith.addi %mul3A_0, %arg0 : i32
    "tpu.region"() ({
      %run_scoped3A_117 = tpu.sem_alloc : memref<!tpu.dma_semaphore, #tpu.memory_space<semaphore_mem>>
      %dma_start3A_118 = arith.constant 0 : i32
      %dma_start3A_119 = arith.constant 0 : i32
      %dma_start3A_120 = tpu.memref_slice %arg4[%add3A, %dma_start3A_118, %dma_start3A_119] : memref<32x8x1024xf32, #tpu.memory_space<hbm>> -> memref<1x8x1024xf32, #tpu.memory_space<hbm>>
      %dma_start3A_121 = tpu.memref_squeeze %dma_start3A_120 : memref<1x8x1024xf32, #tpu.memory_space<hbm>> -> memref<8x1024xf32, #tpu.memory_space<hbm>>
      %dma_start3A_122 = arith.constant 0 : i32
      %dma_start3A_123 = arith.constant 0 : i32
      %dma_start3A_124 = tpu.memref_slice %arg4[%add3A, %dma_start3A_122, %dma_start3A_123] : memref<32x8x1024xf32, #tpu.memory_space<hbm>> -> memref<1x8x1024xf32, #tpu.memory_space<hbm>>
      %dma_start3A_125 = tpu.memref_squeeze %dma_start3A_124 : memref<1x8x1024xf32, #tpu.memory_space<hbm>> -> memref<8x1024xf32, #tpu.memory_space<hbm>>
      tpu.enqueue_dma source(%dma_start3A_125 : memref<8x1024xf32, #tpu.memory_space<hbm>>) target(%arg22 : memref<8x1024xf32, #tpu.memory_space<vmem>>) target_semaphore(%run_scoped3A_117 : memref<!tpu.dma_semaphore, #tpu.memory_space<semaphore_mem>>)
      %dma_wait3A_126 = arith.constant 0 : i32
      %dma_wait3A_127 = arith.constant 0 : i32
      %dma_wait3A_128 = tpu.memref_slice %arg4[%add3A, %dma_wait3A_126, %dma_wait3A_127] : memref<32x8x1024xf32, #tpu.memory_space<hbm>> -> memref<1x8x1024xf32, #tpu.memory_space<hbm>>
      %dma_wait3A_129 = tpu.memref_squeeze %dma_wait3A_128 : memref<1x8x1024xf32, #tpu.memory_space<hbm>> -> memref<8x1024xf32, #tpu.memory_space<hbm>>
      %dma_wait3A_130 = arith.constant 0 : i32
      %dma_wait3A_131 = arith.constant 0 : i32
      %dma_wait3A_132 = tpu.memref_slice %arg4[%add3A, %dma_wait3A_130, %dma_wait3A_131] : memref<32x8x1024xf32, #tpu.memory_space<hbm>> -> memref<1x8x1024xf32, #tpu.memory_space<hbm>>
      %dma_wait3A_133 = tpu.memref_squeeze %dma_wait3A_132 : memref<1x8x1024xf32, #tpu.memory_space<hbm>> -> memref<8x1024xf32, #tpu.memory_space<hbm>>
      tpu.wait_dma2 semaphore(%run_scoped3A_117 : memref<!tpu.dma_semaphore, #tpu.memory_space<semaphore_mem>>) src(%dma_wait3A_133 : memref<8x1024xf32, #tpu.memory_space<hbm>>) dst(%arg22 : memref<8x1024xf32, #tpu.memory_space<vmem>>)
      tpu.yield
    }) : () -> ()
    %run_scoped3A = arith.constant 0 : i32
    "tpu.region"() ({
      %run_scoped3A_117 = tpu.sem_alloc : memref<!tpu.dma_semaphore, #tpu.memory_space<semaphore_mem>>
      %dma_start3A_118 = arith.constant 0 : i32
      %dma_start3A_119 = tpu.memref_slice %arg3[%add3A, %run_scoped3A, %dma_start3A_118] : memref<32x8x1024xi32, #tpu.memory_space<hbm>> -> memref<1x1x1024xi32, #tpu.memory_space<hbm>>
      %dma_start3A_120 = tpu.memref_squeeze %dma_start3A_119 : memref<1x1x1024xi32, #tpu.memory_space<hbm>> -> memref<1024xi32, #tpu.memory_space<hbm>>
      %dma_start3A_121 = arith.constant 0 : i32
      %dma_start3A_122 = tpu.memref_slice %arg3[%add3A, %run_scoped3A, %dma_start3A_121] : memref<32x8x1024xi32, #tpu.memory_space<hbm>> -> memref<1x1x1024xi32, #tpu.memory_space<hbm>>
      %dma_start3A_123 = tpu.memref_squeeze %dma_start3A_122 : memref<1x1x1024xi32, #tpu.memory_space<hbm>> -> memref<1024xi32, #tpu.memory_space<hbm>>
      tpu.enqueue_dma source(%dma_start3A_123 : memref<1024xi32, #tpu.memory_space<hbm>>) target(%arg6 : memref<1024xi32, #tpu.memory_space<vmem>>) target_semaphore(%run_scoped3A_117 : memref<!tpu.dma_semaphore, #tpu.memory_space<semaphore_mem>>)
      %dma_wait3A_124 = arith.constant 0 : i32
      %dma_wait3A_125 = tpu.memref_slice %arg3[%add3A, %run_scoped3A, %dma_wait3A_124] : memref<32x8x1024xi32, #tpu.memory_space<hbm>> -> memref<1x1x1024xi32, #tpu.memory_space<hbm>>
      %dma_wait3A_126 = tpu.memref_squeeze %dma_wait3A_125 : memref<1x1x1024xi32, #tpu.memory_space<hbm>> -> memref<1024xi32, #tpu.memory_space<hbm>>
      %dma_wait3A_127 = arith.constant 0 : i32
      %dma_wait3A_128 = tpu.memref_slice %arg3[%add3A, %run_scoped3A, %dma_wait3A_127] : memref<32x8x1024xi32, #tpu.memory_space<hbm>> -> memref<1x1x1024xi32, #tpu.memory_space<hbm>>
      %dma_wait3A_129 = tpu.memref_squeeze %dma_wait3A_128 : memref<1x1x1024xi32, #tpu.memory_space<hbm>> -> memref<1024xi32, #tpu.memory_space<hbm>>
      tpu.wait_dma2 semaphore(%run_scoped3A_117 : memref<!tpu.dma_semaphore, #tpu.memory_space<semaphore_mem>>) src(%dma_wait3A_129 : memref<1024xi32, #tpu.memory_space<hbm>>) dst(%arg6 : memref<1024xi32, #tpu.memory_space<vmem>>)
      tpu.yield
    }) : () -> ()
    %dma_start3A = arith.constant 0 : i32
    %dma_start3A_1 = tpu.memref_slice %arg2[%dma_start3A] : memref<102400000xf32, #tpu.memory_space<hbm>> -> memref<102400000xf32, #tpu.memory_space<hbm>>
    tpu.enqueue_indirect_dma source(%dma_start3A_1 : memref<102400000xf32, #tpu.memory_space<hbm>>) target(%arg14 : memref<1024xf32, #tpu.memory_space<vmem>>) offsets(%arg6 : memref<1024xi32, #tpu.memory_space<vmem>>) semaphore(%arg23 : memref<!tpu.dma_semaphore, #tpu.memory_space<semaphore_mem>>)
    %run_scoped3A_2 = arith.constant 1 : i32
    "tpu.region"() ({
      %run_scoped3A_117 = tpu.sem_alloc : memref<!tpu.dma_semaphore, #tpu.memory_space<semaphore_mem>>
      %dma_start3A_118 = arith.constant 0 : i32
      %dma_start3A_119 = tpu.memref_slice %arg3[%add3A, %run_scoped3A_2, %dma_start3A_118] : memref<32x8x1024xi32, #tpu.memory_space<hbm>> -> memref<1x1x1024xi32, #tpu.memory_space<hbm>>
      %dma_start3A_120 = tpu.memref_squeeze %dma_start3A_119 : memref<1x1x1024xi32, #tpu.memory_space<hbm>> -> memref<1024xi32, #tpu.memory_space<hbm>>
      %dma_start3A_121 = arith.constant 0 : i32
      %dma_start3A_122 = tpu.memref_slice %arg3[%add3A, %run_scoped3A_2, %dma_start3A_121] : memref<32x8x1024xi32, #tpu.memory_space<hbm>> -> memref<1x1x1024xi32, #tpu.memory_space<hbm>>
      %dma_start3A_123 = tpu.memref_squeeze %dma_start3A_122 : memref<1x1x1024xi32, #tpu.memory_space<hbm>> -> memref<1024xi32, #tpu.memory_space<hbm>>
      tpu.enqueue_dma source(%dma_start3A_123 : memref<1024xi32, #tpu.memory_space<hbm>>) target(%arg7 : memref<1024xi32, #tpu.memory_space<vmem>>) target_semaphore(%run_scoped3A_117 : memref<!tpu.dma_semaphore, #tpu.memory_space<semaphore_mem>>)
      %dma_wait3A_124 = arith.constant 0 : i32
      %dma_wait3A_125 = tpu.memref_slice %arg3[%add3A, %run_scoped3A_2, %dma_wait3A_124] : memref<32x8x1024xi32, #tpu.memory_space<hbm>> -> memref<1x1x1024xi32, #tpu.memory_space<hbm>>
      %dma_wait3A_126 = tpu.memref_squeeze %dma_wait3A_125 : memref<1x1x1024xi32, #tpu.memory_space<hbm>> -> memref<1024xi32, #tpu.memory_space<hbm>>
      %dma_wait3A_127 = arith.constant 0 : i32
      %dma_wait3A_128 = tpu.memref_slice %arg3[%add3A, %run_scoped3A_2, %dma_wait3A_127] : memref<32x8x1024xi32, #tpu.memory_space<hbm>> -> memref<1x1x1024xi32, #tpu.memory_space<hbm>>
      %dma_wait3A_129 = tpu.memref_squeeze %dma_wait3A_128 : memref<1x1x1024xi32, #tpu.memory_space<hbm>> -> memref<1024xi32, #tpu.memory_space<hbm>>
      tpu.wait_dma2 semaphore(%run_scoped3A_117 : memref<!tpu.dma_semaphore, #tpu.memory_space<semaphore_mem>>) src(%dma_wait3A_129 : memref<1024xi32, #tpu.memory_space<hbm>>) dst(%arg7 : memref<1024xi32, #tpu.memory_space<vmem>>)
      tpu.yield
    }) : () -> ()
    %dma_start3A_3 = arith.constant 0 : i32
    %dma_start3A_4 = tpu.memref_slice %arg2[%dma_start3A_3] : memref<102400000xf32, #tpu.memory_space<hbm>> -> memref<102400000xf32, #tpu.memory_space<hbm>>
    tpu.enqueue_indirect_dma source(%dma_start3A_4 : memref<102400000xf32, #tpu.memory_space<hbm>>) target(%arg15 : memref<1024xf32, #tpu.memory_space<vmem>>) offsets(%arg7 : memref<1024xi32, #tpu.memory_space<vmem>>) semaphore(%arg23 : memref<!tpu.dma_semaphore, #tpu.memory_space<semaphore_mem>>)
    %run_scoped3A_5 = arith.constant 2 : i32
    "tpu.region"() ({
      %run_scoped3A_117 = tpu.sem_alloc : memref<!tpu.dma_semaphore, #tpu.memory_space<semaphore_mem>>
      %dma_start3A_118 = arith.constant 0 : i32
      %dma_start3A_119 = tpu.memref_slice %arg3[%add3A, %run_scoped3A_5, %dma_start3A_118] : memref<32x8x1024xi32, #tpu.memory_space<hbm>> -> memref<1x1x1024xi32, #tpu.memory_space<hbm>>
      %dma_start3A_120 = tpu.memref_squeeze %dma_start3A_119 : memref<1x1x1024xi32, #tpu.memory_space<hbm>> -> memref<1024xi32, #tpu.memory_space<hbm>>
      %dma_start3A_121 = arith.constant 0 : i32
      %dma_start3A_122 = tpu.memref_slice %arg3[%add3A, %run_scoped3A_5, %dma_start3A_121] : memref<32x8x1024xi32, #tpu.memory_space<hbm>> -> memref<1x1x1024xi32, #tpu.memory_space<hbm>>
      %dma_start3A_123 = tpu.memref_squeeze %dma_start3A_122 : memref<1x1x1024xi32, #tpu.memory_space<hbm>> -> memref<1024xi32, #tpu.memory_space<hbm>>
      tpu.enqueue_dma source(%dma_start3A_123 : memref<1024xi32, #tpu.memory_space<hbm>>) target(%arg8 : memref<1024xi32, #tpu.memory_space<vmem>>) target_semaphore(%run_scoped3A_117 : memref<!tpu.dma_semaphore, #tpu.memory_space<semaphore_mem>>)
      %dma_wait3A_124 = arith.constant 0 : i32
      %dma_wait3A_125 = tpu.memref_slice %arg3[%add3A, %run_scoped3A_5, %dma_wait3A_124] : memref<32x8x1024xi32, #tpu.memory_space<hbm>> -> memref<1x1x1024xi32, #tpu.memory_space<hbm>>
      %dma_wait3A_126 = tpu.memref_squeeze %dma_wait3A_125 : memref<1x1x1024xi32, #tpu.memory_space<hbm>> -> memref<1024xi32, #tpu.memory_space<hbm>>
      %dma_wait3A_127 = arith.constant 0 : i32
      %dma_wait3A_128 = tpu.memref_slice %arg3[%add3A, %run_scoped3A_5, %dma_wait3A_127] : memref<32x8x1024xi32, #tpu.memory_space<hbm>> -> memref<1x1x1024xi32, #tpu.memory_space<hbm>>
      %dma_wait3A_129 = tpu.memref_squeeze %dma_wait3A_128 : memref<1x1x1024xi32, #tpu.memory_space<hbm>> -> memref<1024xi32, #tpu.memory_space<hbm>>
      tpu.wait_dma2 semaphore(%run_scoped3A_117 : memref<!tpu.dma_semaphore, #tpu.memory_space<semaphore_mem>>) src(%dma_wait3A_129 : memref<1024xi32, #tpu.memory_space<hbm>>) dst(%arg8 : memref<1024xi32, #tpu.memory_space<vmem>>)
      tpu.yield
    }) : () -> ()
    %dma_start3A_6 = arith.constant 0 : i32
    %dma_start3A_7 = tpu.memref_slice %arg2[%dma_start3A_6] : memref<102400000xf32, #tpu.memory_space<hbm>> -> memref<102400000xf32, #tpu.memory_space<hbm>>
    tpu.enqueue_indirect_dma source(%dma_start3A_7 : memref<102400000xf32, #tpu.memory_space<hbm>>) target(%arg16 : memref<1024xf32, #tpu.memory_space<vmem>>) offsets(%arg8 : memref<1024xi32, #tpu.memory_space<vmem>>) semaphore(%arg23 : memref<!tpu.dma_semaphore, #tpu.memory_space<semaphore_mem>>)
    %run_scoped3A_8 = arith.constant 3 : i32
    "tpu.region"() ({
      %run_scoped3A_117 = tpu.sem_alloc : memref<!tpu.dma_semaphore, #tpu.memory_space<semaphore_mem>>
      %dma_start3A_118 = arith.constant 0 : i32
      %dma_start3A_119 = tpu.memref_slice %arg3[%add3A, %run_scoped3A_8, %dma_start3A_118] : memref<32x8x1024xi32, #tpu.memory_space<hbm>> -> memref<1x1x1024xi32, #tpu.memory_space<hbm>>
      %dma_start3A_120 = tpu.memref_squeeze %dma_start3A_119 : memref<1x1x1024xi32, #tpu.memory_space<hbm>> -> memref<1024xi32, #tpu.memory_space<hbm>>
      %dma_start3A_121 = arith.constant 0 : i32
      %dma_start3A_122 = tpu.memref_slice %arg3[%add3A, %run_scoped3A_8, %dma_start3A_121] : memref<32x8x1024xi32, #tpu.memory_space<hbm>> -> memref<1x1x1024xi32, #tpu.memory_space<hbm>>
      %dma_start3A_123 = tpu.memref_squeeze %dma_start3A_122 : memref<1x1x1024xi32, #tpu.memory_space<hbm>> -> memref<1024xi32, #tpu.memory_space<hbm>>
      tpu.enqueue_dma source(%dma_start3A_123 : memref<1024xi32, #tpu.memory_space<hbm>>) target(%arg9 : memref<1024xi32, #tpu.memory_space<vmem>>) target_semaphore(%run_scoped3A_117 : memref<!tpu.dma_semaphore, #tpu.memory_space<semaphore_mem>>)
      %dma_wait3A_124 = arith.constant 0 : i32
      %dma_wait3A_125 = tpu.memref_slice %arg3[%add3A, %run_scoped3A_8, %dma_wait3A_124] : memref<32x8x1024xi32, #tpu.memory_space<hbm>> -> memref<1x1x1024xi32, #tpu.memory_space<hbm>>
      %dma_wait3A_126 = tpu.memref_squeeze %dma_wait3A_125 : memref<1x1x1024xi32, #tpu.memory_space<hbm>> -> memref<1024xi32, #tpu.memory_space<hbm>>
      %dma_wait3A_127 = arith.constant 0 : i32
      %dma_wait3A_128 = tpu.memref_slice %arg3[%add3A, %run_scoped3A_8, %dma_wait3A_127] : memref<32x8x1024xi32, #tpu.memory_space<hbm>> -> memref<1x1x1024xi32, #tpu.memory_space<hbm>>
      %dma_wait3A_129 = tpu.memref_squeeze %dma_wait3A_128 : memref<1x1x1024xi32, #tpu.memory_space<hbm>> -> memref<1024xi32, #tpu.memory_space<hbm>>
      tpu.wait_dma2 semaphore(%run_scoped3A_117 : memref<!tpu.dma_semaphore, #tpu.memory_space<semaphore_mem>>) src(%dma_wait3A_129 : memref<1024xi32, #tpu.memory_space<hbm>>) dst(%arg9 : memref<1024xi32, #tpu.memory_space<vmem>>)
      tpu.yield
    }) : () -> ()
    %dma_start3A_9 = arith.constant 0 : i32
    %dma_start3A_10 = tpu.memref_slice %arg2[%dma_start3A_9] : memref<102400000xf32, #tpu.memory_space<hbm>> -> memref<102400000xf32, #tpu.memory_space<hbm>>
    tpu.enqueue_indirect_dma source(%dma_start3A_10 : memref<102400000xf32, #tpu.memory_space<hbm>>) target(%arg17 : memref<1024xf32, #tpu.memory_space<vmem>>) offsets(%arg9 : memref<1024xi32, #tpu.memory_space<vmem>>) semaphore(%arg23 : memref<!tpu.dma_semaphore, #tpu.memory_space<semaphore_mem>>)
    %run_scoped3A_11 = arith.constant 4 : i32
    "tpu.region"() ({
      %run_scoped3A_117 = tpu.sem_alloc : memref<!tpu.dma_semaphore, #tpu.memory_space<semaphore_mem>>
      %dma_start3A_118 = arith.constant 0 : i32
      %dma_start3A_119 = tpu.memref_slice %arg3[%add3A, %run_scoped3A_11, %dma_start3A_118] : memref<32x8x1024xi32, #tpu.memory_space<hbm>> -> memref<1x1x1024xi32, #tpu.memory_space<hbm>>
      %dma_start3A_120 = tpu.memref_squeeze %dma_start3A_119 : memref<1x1x1024xi32, #tpu.memory_space<hbm>> -> memref<1024xi32, #tpu.memory_space<hbm>>
      %dma_start3A_121 = arith.constant 0 : i32
      %dma_start3A_122 = tpu.memref_slice %arg3[%add3A, %run_scoped3A_11, %dma_start3A_121] : memref<32x8x1024xi32, #tpu.memory_space<hbm>> -> memref<1x1x1024xi32, #tpu.memory_space<hbm>>
      %dma_start3A_123 = tpu.memref_squeeze %dma_start3A_122 : memref<1x1x1024xi32, #tpu.memory_space<hbm>> -> memref<1024xi32, #tpu.memory_space<hbm>>
      tpu.enqueue_dma source(%dma_start3A_123 : memref<1024xi32, #tpu.memory_space<hbm>>) target(%arg10 : memref<1024xi32, #tpu.memory_space<vmem>>) target_semaphore(%run_scoped3A_117 : memref<!tpu.dma_semaphore, #tpu.memory_space<semaphore_mem>>)
      %dma_wait3A_124 = arith.constant 0 : i32
      %dma_wait3A_125 = tpu.memref_slice %arg3[%add3A, %run_scoped3A_11, %dma_wait3A_124] : memref<32x8x1024xi32, #tpu.memory_space<hbm>> -> memref<1x1x1024xi32, #tpu.memory_space<hbm>>
      %dma_wait3A_126 = tpu.memref_squeeze %dma_wait3A_125 : memref<1x1x1024xi32, #tpu.memory_space<hbm>> -> memref<1024xi32, #tpu.memory_space<hbm>>
      %dma_wait3A_127 = arith.constant 0 : i32
      %dma_wait3A_128 = tpu.memref_slice %arg3[%add3A, %run_scoped3A_11, %dma_wait3A_127] : memref<32x8x1024xi32, #tpu.memory_space<hbm>> -> memref<1x1x1024xi32, #tpu.memory_space<hbm>>
      %dma_wait3A_129 = tpu.memref_squeeze %dma_wait3A_128 : memref<1x1x1024xi32, #tpu.memory_space<hbm>> -> memref<1024xi32, #tpu.memory_space<hbm>>
      tpu.wait_dma2 semaphore(%run_scoped3A_117 : memref<!tpu.dma_semaphore, #tpu.memory_space<semaphore_mem>>) src(%dma_wait3A_129 : memref<1024xi32, #tpu.memory_space<hbm>>) dst(%arg10 : memref<1024xi32, #tpu.memory_space<vmem>>)
      tpu.yield
    }) : () -> ()
    %dma_start3A_12 = arith.constant 0 : i32
    %dma_start3A_13 = tpu.memref_slice %arg2[%dma_start3A_12] : memref<102400000xf32, #tpu.memory_space<hbm>> -> memref<102400000xf32, #tpu.memory_space<hbm>>
    tpu.enqueue_indirect_dma source(%dma_start3A_13 : memref<102400000xf32, #tpu.memory_space<hbm>>) target(%arg18 : memref<1024xf32, #tpu.memory_space<vmem>>) offsets(%arg10 : memref<1024xi32, #tpu.memory_space<vmem>>) semaphore(%arg23 : memref<!tpu.dma_semaphore, #tpu.memory_space<semaphore_mem>>)
    %run_scoped3A_14 = arith.constant 5 : i32
    "tpu.region"() ({
      %run_scoped3A_117 = tpu.sem_alloc : memref<!tpu.dma_semaphore, #tpu.memory_space<semaphore_mem>>
      %dma_start3A_118 = arith.constant 0 : i32
      %dma_start3A_119 = tpu.memref_slice %arg3[%add3A, %run_scoped3A_14, %dma_start3A_118] : memref<32x8x1024xi32, #tpu.memory_space<hbm>> -> memref<1x1x1024xi32, #tpu.memory_space<hbm>>
      %dma_start3A_120 = tpu.memref_squeeze %dma_start3A_119 : memref<1x1x1024xi32, #tpu.memory_space<hbm>> -> memref<1024xi32, #tpu.memory_space<hbm>>
      %dma_start3A_121 = arith.constant 0 : i32
      %dma_start3A_122 = tpu.memref_slice %arg3[%add3A, %run_scoped3A_14, %dma_start3A_121] : memref<32x8x1024xi32, #tpu.memory_space<hbm>> -> memref<1x1x1024xi32, #tpu.memory_space<hbm>>
      %dma_start3A_123 = tpu.memref_squeeze %dma_start3A_122 : memref<1x1x1024xi32, #tpu.memory_space<hbm>> -> memref<1024xi32, #tpu.memory_space<hbm>>
      tpu.enqueue_dma source(%dma_start3A_123 : memref<1024xi32, #tpu.memory_space<hbm>>) target(%arg11 : memref<1024xi32, #tpu.memory_space<vmem>>) target_semaphore(%run_scoped3A_117 : memref<!tpu.dma_semaphore, #tpu.memory_space<semaphore_mem>>)
      %dma_wait3A_124 = arith.constant 0 : i32
      %dma_wait3A_125 = tpu.memref_slice %arg3[%add3A, %run_scoped3A_14, %dma_wait3A_124] : memref<32x8x1024xi32, #tpu.memory_space<hbm>> -> memref<1x1x1024xi32, #tpu.memory_space<hbm>>
      %dma_wait3A_126 = tpu.memref_squeeze %dma_wait3A_125 : memref<1x1x1024xi32, #tpu.memory_space<hbm>> -> memref<1024xi32, #tpu.memory_space<hbm>>
      %dma_wait3A_127 = arith.constant 0 : i32
      %dma_wait3A_128 = tpu.memref_slice %arg3[%add3A, %run_scoped3A_14, %dma_wait3A_127] : memref<32x8x1024xi32, #tpu.memory_space<hbm>> -> memref<1x1x1024xi32, #tpu.memory_space<hbm>>
      %dma_wait3A_129 = tpu.memref_squeeze %dma_wait3A_128 : memref<1x1x1024xi32, #tpu.memory_space<hbm>> -> memref<1024xi32, #tpu.memory_space<hbm>>
      tpu.wait_dma2 semaphore(%run_scoped3A_117 : memref<!tpu.dma_semaphore, #tpu.memory_space<semaphore_mem>>) src(%dma_wait3A_129 : memref<1024xi32, #tpu.memory_space<hbm>>) dst(%arg11 : memref<1024xi32, #tpu.memory_space<vmem>>)
      tpu.yield
    }) : () -> ()
    %dma_start3A_15 = arith.constant 0 : i32
    %dma_start3A_16 = tpu.memref_slice %arg2[%dma_start3A_15] : memref<102400000xf32, #tpu.memory_space<hbm>> -> memref<102400000xf32, #tpu.memory_space<hbm>>
    tpu.enqueue_indirect_dma source(%dma_start3A_16 : memref<102400000xf32, #tpu.memory_space<hbm>>) target(%arg19 : memref<1024xf32, #tpu.memory_space<vmem>>) offsets(%arg11 : memref<1024xi32, #tpu.memory_space<vmem>>) semaphore(%arg23 : memref<!tpu.dma_semaphore, #tpu.memory_space<semaphore_mem>>)
    %run_scoped3A_17 = arith.constant 6 : i32
    "tpu.region"() ({
      %run_scoped3A_117 = tpu.sem_alloc : memref<!tpu.dma_semaphore, #tpu.memory_space<semaphore_mem>>
      %dma_start3A_118 = arith.constant 0 : i32
      %dma_start3A_119 = tpu.memref_slice %arg3[%add3A, %run_scoped3A_17, %dma_start3A_118] : memref<32x8x1024xi32, #tpu.memory_space<hbm>> -> memref<1x1x1024xi32, #tpu.memory_space<hbm>>
      %dma_start3A_120 = tpu.memref_squeeze %dma_start3A_119 : memref<1x1x1024xi32, #tpu.memory_space<hbm>> -> memref<1024xi32, #tpu.memory_space<hbm>>
      %dma_start3A_121 = arith.constant 0 : i32
      %dma_start3A_122 = tpu.memref_slice %arg3[%add3A, %run_scoped3A_17, %dma_start3A_121] : memref<32x8x1024xi32, #tpu.memory_space<hbm>> -> memref<1x1x1024xi32, #tpu.memory_space<hbm>>
      %dma_start3A_123 = tpu.memref_squeeze %dma_start3A_122 : memref<1x1x1024xi32, #tpu.memory_space<hbm>> -> memref<1024xi32, #tpu.memory_space<hbm>>
      tpu.enqueue_dma source(%dma_start3A_123 : memref<1024xi32, #tpu.memory_space<hbm>>) target(%arg12 : memref<1024xi32, #tpu.memory_space<vmem>>) target_semaphore(%run_scoped3A_117 : memref<!tpu.dma_semaphore, #tpu.memory_space<semaphore_mem>>)
      %dma_wait3A_124 = arith.constant 0 : i32
      %dma_wait3A_125 = tpu.memref_slice %arg3[%add3A, %run_scoped3A_17, %dma_wait3A_124] : memref<32x8x1024xi32, #tpu.memory_space<hbm>> -> memref<1x1x1024xi32, #tpu.memory_space<hbm>>
      %dma_wait3A_126 = tpu.memref_squeeze %dma_wait3A_125 : memref<1x1x1024xi32, #tpu.memory_space<hbm>> -> memref<1024xi32, #tpu.memory_space<hbm>>
      %dma_wait3A_127 = arith.constant 0 : i32
      %dma_wait3A_128 = tpu.memref_slice %arg3[%add3A, %run_scoped3A_17, %dma_wait3A_127] : memref<32x8x1024xi32, #tpu.memory_space<hbm>> -> memref<1x1x1024xi32, #tpu.memory_space<hbm>>
      %dma_wait3A_129 = tpu.memref_squeeze %dma_wait3A_128 : memref<1x1x1024xi32, #tpu.memory_space<hbm>> -> memref<1024xi32, #tpu.memory_space<hbm>>
      tpu.wait_dma2 semaphore(%run_scoped3A_117 : memref<!tpu.dma_semaphore, #tpu.memory_space<semaphore_mem>>) src(%dma_wait3A_129 : memref<1024xi32, #tpu.memory_space<hbm>>) dst(%arg12 : memref<1024xi32, #tpu.memory_space<vmem>>)
      tpu.yield
    }) : () -> ()
    %dma_start3A_18 = arith.constant 0 : i32
    %dma_start3A_19 = tpu.memref_slice %arg2[%dma_start3A_18] : memref<102400000xf32, #tpu.memory_space<hbm>> -> memref<102400000xf32, #tpu.memory_space<hbm>>
    tpu.enqueue_indirect_dma source(%dma_start3A_19 : memref<102400000xf32, #tpu.memory_space<hbm>>) target(%arg20 : memref<1024xf32, #tpu.memory_space<vmem>>) offsets(%arg12 : memref<1024xi32, #tpu.memory_space<vmem>>) semaphore(%arg23 : memref<!tpu.dma_semaphore, #tpu.memory_space<semaphore_mem>>)
    %run_scoped3A_20 = arith.constant 7 : i32
    "tpu.region"() ({
      %run_scoped3A_117 = tpu.sem_alloc : memref<!tpu.dma_semaphore, #tpu.memory_space<semaphore_mem>>
      %dma_start3A_118 = arith.constant 0 : i32
      %dma_start3A_119 = tpu.memref_slice %arg3[%add3A, %run_scoped3A_20, %dma_start3A_118] : memref<32x8x1024xi32, #tpu.memory_space<hbm>> -> memref<1x1x1024xi32, #tpu.memory_space<hbm>>
      %dma_start3A_120 = tpu.memref_squeeze %dma_start3A_119 : memref<1x1x1024xi32, #tpu.memory_space<hbm>> -> memref<1024xi32, #tpu.memory_space<hbm>>
      %dma_start3A_121 = arith.constant 0 : i32
      %dma_start3A_122 = tpu.memref_slice %arg3[%add3A, %run_scoped3A_20, %dma_start3A_121] : memref<32x8x1024xi32, #tpu.memory_space<hbm>> -> memref<1x1x1024xi32, #tpu.memory_space<hbm>>
      %dma_start3A_123 = tpu.memref_squeeze %dma_start3A_122 : memref<1x1x1024xi32, #tpu.memory_space<hbm>> -> memref<1024xi32, #tpu.memory_space<hbm>>
      tpu.enqueue_dma source(%dma_start3A_123 : memref<1024xi32, #tpu.memory_space<hbm>>) target(%arg13 : memref<1024xi32, #tpu.memory_space<vmem>>) target_semaphore(%run_scoped3A_117 : memref<!tpu.dma_semaphore, #tpu.memory_space<semaphore_mem>>)
      %dma_wait3A_124 = arith.constant 0 : i32
      %dma_wait3A_125 = tpu.memref_slice %arg3[%add3A, %run_scoped3A_20, %dma_wait3A_124] : memref<32x8x1024xi32, #tpu.memory_space<hbm>> -> memref<1x1x1024xi32, #tpu.memory_space<hbm>>
      %dma_wait3A_126 = tpu.memref_squeeze %dma_wait3A_125 : memref<1x1x1024xi32, #tpu.memory_space<hbm>> -> memref<1024xi32, #tpu.memory_space<hbm>>
      %dma_wait3A_127 = arith.constant 0 : i32
      %dma_wait3A_128 = tpu.memref_slice %arg3[%add3A, %run_scoped3A_20, %dma_wait3A_127] : memref<32x8x1024xi32, #tpu.memory_space<hbm>> -> memref<1x1x1024xi32, #tpu.memory_space<hbm>>
      %dma_wait3A_129 = tpu.memref_squeeze %dma_wait3A_128 : memref<1x1x1024xi32, #tpu.memory_space<hbm>> -> memref<1024xi32, #tpu.memory_space<hbm>>
      tpu.wait_dma2 semaphore(%run_scoped3A_117 : memref<!tpu.dma_semaphore, #tpu.memory_space<semaphore_mem>>) src(%dma_wait3A_129 : memref<1024xi32, #tpu.memory_space<hbm>>) dst(%arg13 : memref<1024xi32, #tpu.memory_space<vmem>>)
      tpu.yield
    }) : () -> ()
    %dma_start3A_21 = arith.constant 0 : i32
    %dma_start3A_22 = tpu.memref_slice %arg2[%dma_start3A_21] : memref<102400000xf32, #tpu.memory_space<hbm>> -> memref<102400000xf32, #tpu.memory_space<hbm>>
    tpu.enqueue_indirect_dma source(%dma_start3A_22 : memref<102400000xf32, #tpu.memory_space<hbm>>) target(%arg21 : memref<1024xf32, #tpu.memory_space<vmem>>) offsets(%arg13 : memref<1024xi32, #tpu.memory_space<vmem>>) semaphore(%arg23 : memref<!tpu.dma_semaphore, #tpu.memory_space<semaphore_mem>>)
    %dma_wait3A = arith.constant 0 : i32
    %dma_wait3A_23 = tpu.memref_slice %arg2[%dma_wait3A] : memref<102400000xf32, #tpu.memory_space<hbm>> -> memref<102400000xf32, #tpu.memory_space<hbm>>
    tpu.wait_indirect_dma semaphore(%arg23 : memref<!tpu.dma_semaphore, #tpu.memory_space<semaphore_mem>>) src(%dma_wait3A_23 : memref<102400000xf32, #tpu.memory_space<hbm>>) dst(%arg14 : memref<1024xf32, #tpu.memory_space<vmem>>)
    %scan3A = arith.constant 0 : i32
    %scan3A_24 = arith.constant 0 : i32
    %scan3A_25 = arith.constant 64 : i32
    %scan3A_26 = arith.addi %scan3A_24, %scan3A_25 : i32
    %scan3A_27 = arith.constant 1 : i32
    scf.for %scan3A_117 = %scan3A_24 to %scan3A_26 step %scan3A_27  : i32 {
      %mul3A_118 = arith.constant 16 : i32
      %mul3A_119 = arith.muli %scan3A_117, %mul3A_118 : i32
      %get3A = arith.index_cast %mul3A_119 : i32 to index
      %get3A_120 = tpu.vector_load %arg14[%get3A] {strides = array<i32>} : memref<1024xf32, #tpu.memory_space<vmem>>, vector<16xf32>,
      %get3A_121 = vector.shape_cast %get3A_120 : vector<16xf32> to vector<16xf32>
      %get3A_122 = arith.constant 0 : i32
      %get3A_123 = arith.index_cast %get3A_122 : i32 to index
      %get3A_124 = arith.index_cast %mul3A_119 : i32 to index
      %get3A_125 = tpu.vector_load %arg22[%get3A_123, %get3A_124] {strides = array<i32>} : memref<8x1024xf32, #tpu.memory_space<vmem>>, vector<1x16xf32>,
      %get3A_126 = vector.shape_cast %get3A_125 : vector<1x16xf32> to vector<16xf32>
      %add3A_127 = arith.addf %get3A_121, %get3A_126 : vector<16xf32>
      %swap3A = arith.index_cast %mul3A_119 : i32 to index
      %swap3A_128 = tpu.vector_load %arg14[%swap3A] {strides = array<i32>} : memref<1024xf32, #tpu.memory_space<vmem>>, vector<16xf32>,
      %swap3A_129 = vector.shape_cast %swap3A_128 : vector<16xf32> to vector<16xf32>
      %swap3A_130 = vector.shape_cast %add3A_127 : vector<16xf32> to vector<16xf32>
      tpu.vector_store %arg14[%swap3A], %swap3A_130 {strides = array<i32>} : memref<1024xf32, #tpu.memory_space<vmem>>, vector<16xf32>,
    }
    %scan3A_28 = arith.constant 64 : i32
    %dma_wait3A_29 = arith.constant 0 : i32
    %dma_wait3A_30 = tpu.memref_slice %arg2[%dma_wait3A_29] : memref<102400000xf32, #tpu.memory_space<hbm>> -> memref<102400000xf32, #tpu.memory_space<hbm>>
    tpu.wait_indirect_dma semaphore(%arg23 : memref<!tpu.dma_semaphore, #tpu.memory_space<semaphore_mem>>) src(%dma_wait3A_30 : memref<102400000xf32, #tpu.memory_space<hbm>>) dst(%arg15 : memref<1024xf32, #tpu.memory_space<vmem>>)
    %scan3A_31 = arith.constant 0 : i32
    %scan3A_32 = arith.constant 0 : i32
    %scan3A_33 = arith.constant 64 : i32
    %scan3A_34 = arith.addi %scan3A_32, %scan3A_33 : i32
    %scan3A_35 = arith.constant 1 : i32
    scf.for %scan3A_117 = %scan3A_32 to %scan3A_34 step %scan3A_35  : i32 {
      %mul3A_118 = arith.constant 16 : i32
      %mul3A_119 = arith.muli %scan3A_117, %mul3A_118 : i32
      %get3A = arith.index_cast %mul3A_119 : i32 to index
      %get3A_120 = tpu.vector_load %arg15[%get3A] {strides = array<i32>} : memref<1024xf32, #tpu.memory_space<vmem>>, vector<16xf32>,
      %get3A_121 = vector.shape_cast %get3A_120 : vector<16xf32> to vector<16xf32>
      %get3A_122 = arith.constant 1 : i32
      %get3A_123 = arith.index_cast %get3A_122 : i32 to index
      %get3A_124 = arith.index_cast %mul3A_119 : i32 to index
      %get3A_125 = tpu.vector_load %arg22[%get3A_123, %get3A_124] {strides = array<i32>} : memref<8x1024xf32, #tpu.memory_space<vmem>>, vector<1x16xf32>,
      %get3A_126 = vector.shape_cast %get3A_125 : vector<1x16xf32> to vector<16xf32>
      %add3A_127 = arith.addf %get3A_121, %get3A_126 : vector<16xf32>
      %swap3A = arith.index_cast %mul3A_119 : i32 to index
      %swap3A_128 = tpu.vector_load %arg15[%swap3A] {strides = array<i32>} : memref<1024xf32, #tpu.memory_space<vmem>>, vector<16xf32>,
      %swap3A_129 = vector.shape_cast %swap3A_128 : vector<16xf32> to vector<16xf32>
      %swap3A_130 = vector.shape_cast %add3A_127 : vector<16xf32> to vector<16xf32>
      tpu.vector_store %arg15[%swap3A], %swap3A_130 {strides = array<i32>} : memref<1024xf32, #tpu.memory_space<vmem>>, vector<16xf32>,
    }
    %scan3A_36 = arith.constant 64 : i32
    %dma_wait3A_37 = arith.constant 0 : i32
    %dma_wait3A_38 = tpu.memref_slice %arg2[%dma_wait3A_37] : memref<102400000xf32, #tpu.memory_space<hbm>> -> memref<102400000xf32, #tpu.memory_space<hbm>>
    tpu.wait_indirect_dma semaphore(%arg23 : memref<!tpu.dma_semaphore, #tpu.memory_space<semaphore_mem>>) src(%dma_wait3A_38 : memref<102400000xf32, #tpu.memory_space<hbm>>) dst(%arg16 : memref<1024xf32, #tpu.memory_space<vmem>>)
    %scan3A_39 = arith.constant 0 : i32
    %scan3A_40 = arith.constant 0 : i32
    %scan3A_41 = arith.constant 64 : i32
    %scan3A_42 = arith.addi %scan3A_40, %scan3A_41 : i32
    %scan3A_43 = arith.constant 1 : i32
    scf.for %scan3A_117 = %scan3A_40 to %scan3A_42 step %scan3A_43  : i32 {
      %mul3A_118 = arith.constant 16 : i32
      %mul3A_119 = arith.muli %scan3A_117, %mul3A_118 : i32
      %get3A = arith.index_cast %mul3A_119 : i32 to index
      %get3A_120 = tpu.vector_load %arg16[%get3A] {strides = array<i32>} : memref<1024xf32, #tpu.memory_space<vmem>>, vector<16xf32>,
      %get3A_121 = vector.shape_cast %get3A_120 : vector<16xf32> to vector<16xf32>
      %get3A_122 = arith.constant 2 : i32
      %get3A_123 = arith.index_cast %get3A_122 : i32 to index
      %get3A_124 = arith.index_cast %mul3A_119 : i32 to index
      %get3A_125 = tpu.vector_load %arg22[%get3A_123, %get3A_124] {strides = array<i32>} : memref<8x1024xf32, #tpu.memory_space<vmem>>, vector<1x16xf32>,
      %get3A_126 = vector.shape_cast %get3A_125 : vector<1x16xf32> to vector<16xf32>
      %add3A_127 = arith.addf %get3A_121, %get3A_126 : vector<16xf32>
      %swap3A = arith.index_cast %mul3A_119 : i32 to index
      %swap3A_128 = tpu.vector_load %arg16[%swap3A] {strides = array<i32>} : memref<1024xf32, #tpu.memory_space<vmem>>, vector<16xf32>,
      %swap3A_129 = vector.shape_cast %swap3A_128 : vector<16xf32> to vector<16xf32>
      %swap3A_130 = vector.shape_cast %add3A_127 : vector<16xf32> to vector<16xf32>
      tpu.vector_store %arg16[%swap3A], %swap3A_130 {strides = array<i32>} : memref<1024xf32, #tpu.memory_space<vmem>>, vector<16xf32>,
    }
    %scan3A_44 = arith.constant 64 : i32
    %dma_wait3A_45 = arith.constant 0 : i32
    %dma_wait3A_46 = tpu.memref_slice %arg2[%dma_wait3A_45] : memref<102400000xf32, #tpu.memory_space<hbm>> -> memref<102400000xf32, #tpu.memory_space<hbm>>
    tpu.wait_indirect_dma semaphore(%arg23 : memref<!tpu.dma_semaphore, #tpu.memory_space<semaphore_mem>>) src(%dma_wait3A_46 : memref<102400000xf32, #tpu.memory_space<hbm>>) dst(%arg17 : memref<1024xf32, #tpu.memory_space<vmem>>)
    %scan3A_47 = arith.constant 0 : i32
    %scan3A_48 = arith.constant 0 : i32
    %scan3A_49 = arith.constant 64 : i32
    %scan3A_50 = arith.addi %scan3A_48, %scan3A_49 : i32
    %scan3A_51 = arith.constant 1 : i32
    scf.for %scan3A_117 = %scan3A_48 to %scan3A_50 step %scan3A_51  : i32 {
      %mul3A_118 = arith.constant 16 : i32
      %mul3A_119 = arith.muli %scan3A_117, %mul3A_118 : i32
      %get3A = arith.index_cast %mul3A_119 : i32 to index
      %get3A_120 = tpu.vector_load %arg17[%get3A] {strides = array<i32>} : memref<1024xf32, #tpu.memory_space<vmem>>, vector<16xf32>,
      %get3A_121 = vector.shape_cast %get3A_120 : vector<16xf32> to vector<16xf32>
      %get3A_122 = arith.constant 3 : i32
      %get3A_123 = arith.index_cast %get3A_122 : i32 to index
      %get3A_124 = arith.index_cast %mul3A_119 : i32 to index
      %get3A_125 = tpu.vector_load %arg22[%get3A_123, %get3A_124] {strides = array<i32>} : memref<8x1024xf32, #tpu.memory_space<vmem>>, vector<1x16xf32>,
      %get3A_126 = vector.shape_cast %get3A_125 : vector<1x16xf32> to vector<16xf32>
      %add3A_127 = arith.addf %get3A_121, %get3A_126 : vector<16xf32>
      %swap3A = arith.index_cast %mul3A_119 : i32 to index
      %swap3A_128 = tpu.vector_load %arg17[%swap3A] {strides = array<i32>} : memref<1024xf32, #tpu.memory_space<vmem>>, vector<16xf32>,
      %swap3A_129 = vector.shape_cast %swap3A_128 : vector<16xf32> to vector<16xf32>
      %swap3A_130 = vector.shape_cast %add3A_127 : vector<16xf32> to vector<16xf32>
      tpu.vector_store %arg17[%swap3A], %swap3A_130 {strides = array<i32>} : memref<1024xf32, #tpu.memory_space<vmem>>, vector<16xf32>,
    }
    %scan3A_52 = arith.constant 64 : i32
    %dma_wait3A_53 = arith.constant 0 : i32
    %dma_wait3A_54 = tpu.memref_slice %arg2[%dma_wait3A_53] : memref<102400000xf32, #tpu.memory_space<hbm>> -> memref<102400000xf32, #tpu.memory_space<hbm>>
    tpu.wait_indirect_dma semaphore(%arg23 : memref<!tpu.dma_semaphore, #tpu.memory_space<semaphore_mem>>) src(%dma_wait3A_54 : memref<102400000xf32, #tpu.memory_space<hbm>>) dst(%arg18 : memref<1024xf32, #tpu.memory_space<vmem>>)
    %scan3A_55 = arith.constant 0 : i32
    %scan3A_56 = arith.constant 0 : i32
    %scan3A_57 = arith.constant 64 : i32
    %scan3A_58 = arith.addi %scan3A_56, %scan3A_57 : i32
    %scan3A_59 = arith.constant 1 : i32
    scf.for %scan3A_117 = %scan3A_56 to %scan3A_58 step %scan3A_59  : i32 {
      %mul3A_118 = arith.constant 16 : i32
      %mul3A_119 = arith.muli %scan3A_117, %mul3A_118 : i32
      %get3A = arith.index_cast %mul3A_119 : i32 to index
      %get3A_120 = tpu.vector_load %arg18[%get3A] {strides = array<i32>} : memref<1024xf32, #tpu.memory_space<vmem>>, vector<16xf32>,
      %get3A_121 = vector.shape_cast %get3A_120 : vector<16xf32> to vector<16xf32>
      %get3A_122 = arith.constant 4 : i32
      %get3A_123 = arith.index_cast %get3A_122 : i32 to index
      %get3A_124 = arith.index_cast %mul3A_119 : i32 to index
      %get3A_125 = tpu.vector_load %arg22[%get3A_123, %get3A_124] {strides = array<i32>} : memref<8x1024xf32, #tpu.memory_space<vmem>>, vector<1x16xf32>,
      %get3A_126 = vector.shape_cast %get3A_125 : vector<1x16xf32> to vector<16xf32>
      %add3A_127 = arith.addf %get3A_121, %get3A_126 : vector<16xf32>
      %swap3A = arith.index_cast %mul3A_119 : i32 to index
      %swap3A_128 = tpu.vector_load %arg18[%swap3A] {strides = array<i32>} : memref<1024xf32, #tpu.memory_space<vmem>>, vector<16xf32>,
      %swap3A_129 = vector.shape_cast %swap3A_128 : vector<16xf32> to vector<16xf32>
      %swap3A_130 = vector.shape_cast %add3A_127 : vector<16xf32> to vector<16xf32>
      tpu.vector_store %arg18[%swap3A], %swap3A_130 {strides = array<i32>} : memref<1024xf32, #tpu.memory_space<vmem>>, vector<16xf32>,
    }
    %scan3A_60 = arith.constant 64 : i32
    %dma_wait3A_61 = arith.constant 0 : i32
    %dma_wait3A_62 = tpu.memref_slice %arg2[%dma_wait3A_61] : memref<102400000xf32, #tpu.memory_space<hbm>> -> memref<102400000xf32, #tpu.memory_space<hbm>>
    tpu.wait_indirect_dma semaphore(%arg23 : memref<!tpu.dma_semaphore, #tpu.memory_space<semaphore_mem>>) src(%dma_wait3A_62 : memref<102400000xf32, #tpu.memory_space<hbm>>) dst(%arg19 : memref<1024xf32, #tpu.memory_space<vmem>>)
    %scan3A_63 = arith.constant 0 : i32
    %scan3A_64 = arith.constant 0 : i32
    %scan3A_65 = arith.constant 64 : i32
    %scan3A_66 = arith.addi %scan3A_64, %scan3A_65 : i32
    %scan3A_67 = arith.constant 1 : i32
    scf.for %scan3A_117 = %scan3A_64 to %scan3A_66 step %scan3A_67  : i32 {
      %mul3A_118 = arith.constant 16 : i32
      %mul3A_119 = arith.muli %scan3A_117, %mul3A_118 : i32
      %get3A = arith.index_cast %mul3A_119 : i32 to index
      %get3A_120 = tpu.vector_load %arg19[%get3A] {strides = array<i32>} : memref<1024xf32, #tpu.memory_space<vmem>>, vector<16xf32>,
      %get3A_121 = vector.shape_cast %get3A_120 : vector<16xf32> to vector<16xf32>
      %get3A_122 = arith.constant 5 : i32
      %get3A_123 = arith.index_cast %get3A_122 : i32 to index
      %get3A_124 = arith.index_cast %mul3A_119 : i32 to index
      %get3A_125 = tpu.vector_load %arg22[%get3A_123, %get3A_124] {strides = array<i32>} : memref<8x1024xf32, #tpu.memory_space<vmem>>, vector<1x16xf32>,
      %get3A_126 = vector.shape_cast %get3A_125 : vector<1x16xf32> to vector<16xf32>
      %add3A_127 = arith.addf %get3A_121, %get3A_126 : vector<16xf32>
      %swap3A = arith.index_cast %mul3A_119 : i32 to index
      %swap3A_128 = tpu.vector_load %arg19[%swap3A] {strides = array<i32>} : memref<1024xf32, #tpu.memory_space<vmem>>, vector<16xf32>,
      %swap3A_129 = vector.shape_cast %swap3A_128 : vector<16xf32> to vector<16xf32>
      %swap3A_130 = vector.shape_cast %add3A_127 : vector<16xf32> to vector<16xf32>
      tpu.vector_store %arg19[%swap3A], %swap3A_130 {strides = array<i32>} : memref<1024xf32, #tpu.memory_space<vmem>>, vector<16xf32>,
    }
    %scan3A_68 = arith.constant 64 : i32
    %dma_wait3A_69 = arith.constant 0 : i32
    %dma_wait3A_70 = tpu.memref_slice %arg2[%dma_wait3A_69] : memref<102400000xf32, #tpu.memory_space<hbm>> -> memref<102400000xf32, #tpu.memory_space<hbm>>
    tpu.wait_indirect_dma semaphore(%arg23 : memref<!tpu.dma_semaphore, #tpu.memory_space<semaphore_mem>>) src(%dma_wait3A_70 : memref<102400000xf32, #tpu.memory_space<hbm>>) dst(%arg20 : memref<1024xf32, #tpu.memory_space<vmem>>)
    %scan3A_71 = arith.constant 0 : i32
    %scan3A_72 = arith.constant 0 : i32
    %scan3A_73 = arith.constant 64 : i32
    %scan3A_74 = arith.addi %scan3A_72, %scan3A_73 : i32
    %scan3A_75 = arith.constant 1 : i32
    scf.for %scan3A_117 = %scan3A_72 to %scan3A_74 step %scan3A_75  : i32 {
      %mul3A_118 = arith.constant 16 : i32
      %mul3A_119 = arith.muli %scan3A_117, %mul3A_118 : i32
      %get3A = arith.index_cast %mul3A_119 : i32 to index
      %get3A_120 = tpu.vector_load %arg20[%get3A] {strides = array<i32>} : memref<1024xf32, #tpu.memory_space<vmem>>, vector<16xf32>,
      %get3A_121 = vector.shape_cast %get3A_120 : vector<16xf32> to vector<16xf32>
      %get3A_122 = arith.constant 6 : i32
      %get3A_123 = arith.index_cast %get3A_122 : i32 to index
      %get3A_124 = arith.index_cast %mul3A_119 : i32 to index
      %get3A_125 = tpu.vector_load %arg22[%get3A_123, %get3A_124] {strides = array<i32>} : memref<8x1024xf32, #tpu.memory_space<vmem>>, vector<1x16xf32>,
      %get3A_126 = vector.shape_cast %get3A_125 : vector<1x16xf32> to vector<16xf32>
      %add3A_127 = arith.addf %get3A_121, %get3A_126 : vector<16xf32>
      %swap3A = arith.index_cast %mul3A_119 : i32 to index
      %swap3A_128 = tpu.vector_load %arg20[%swap3A] {strides = array<i32>} : memref<1024xf32, #tpu.memory_space<vmem>>, vector<16xf32>,
      %swap3A_129 = vector.shape_cast %swap3A_128 : vector<16xf32> to vector<16xf32>
      %swap3A_130 = vector.shape_cast %add3A_127 : vector<16xf32> to vector<16xf32>
      tpu.vector_store %arg20[%swap3A], %swap3A_130 {strides = array<i32>} : memref<1024xf32, #tpu.memory_space<vmem>>, vector<16xf32>,
    }
    %scan3A_76 = arith.constant 64 : i32
    %dma_wait3A_77 = arith.constant 0 : i32
    %dma_wait3A_78 = tpu.memref_slice %arg2[%dma_wait3A_77] : memref<102400000xf32, #tpu.memory_space<hbm>> -> memref<102400000xf32, #tpu.memory_space<hbm>>
    tpu.wait_indirect_dma semaphore(%arg23 : memref<!tpu.dma_semaphore, #tpu.memory_space<semaphore_mem>>) src(%dma_wait3A_78 : memref<102400000xf32, #tpu.memory_space<hbm>>) dst(%arg21 : memref<1024xf32, #tpu.memory_space<vmem>>)
    %scan3A_79 = arith.constant 0 : i32
    %scan3A_80 = arith.constant 0 : i32
    %scan3A_81 = arith.constant 64 : i32
    %scan3A_82 = arith.addi %scan3A_80, %scan3A_81 : i32
    %scan3A_83 = arith.constant 1 : i32
    scf.for %scan3A_117 = %scan3A_80 to %scan3A_82 step %scan3A_83  : i32 {
      %mul3A_118 = arith.constant 16 : i32
      %mul3A_119 = arith.muli %scan3A_117, %mul3A_118 : i32
      %get3A = arith.index_cast %mul3A_119 : i32 to index
      %get3A_120 = tpu.vector_load %arg21[%get3A] {strides = array<i32>} : memref<1024xf32, #tpu.memory_space<vmem>>, vector<16xf32>,
      %get3A_121 = vector.shape_cast %get3A_120 : vector<16xf32> to vector<16xf32>
      %get3A_122 = arith.constant 7 : i32
      %get3A_123 = arith.index_cast %get3A_122 : i32 to index
      %get3A_124 = arith.index_cast %mul3A_119 : i32 to index
      %get3A_125 = tpu.vector_load %arg22[%get3A_123, %get3A_124] {strides = array<i32>} : memref<8x1024xf32, #tpu.memory_space<vmem>>, vector<1x16xf32>,
      %get3A_126 = vector.shape_cast %get3A_125 : vector<1x16xf32> to vector<16xf32>
      %add3A_127 = arith.addf %get3A_121, %get3A_126 : vector<16xf32>
      %swap3A = arith.index_cast %mul3A_119 : i32 to index
      %swap3A_128 = tpu.vector_load %arg21[%swap3A] {strides = array<i32>} : memref<1024xf32, #tpu.memory_space<vmem>>, vector<16xf32>,
      %swap3A_129 = vector.shape_cast %swap3A_128 : vector<16xf32> to vector<16xf32>
      %swap3A_130 = vector.shape_cast %add3A_127 : vector<16xf32> to vector<16xf32>
      tpu.vector_store %arg21[%swap3A], %swap3A_130 {strides = array<i32>} : memref<1024xf32, #tpu.memory_space<vmem>>, vector<16xf32>,
    }
    %scan3A_84 = arith.constant 64 : i32
    %dma_start3A_85 = arith.constant 0 : i32
    %dma_start3A_86 = tpu.memref_slice %arg2[%dma_start3A_85] : memref<102400000xf32, #tpu.memory_space<hbm>> -> memref<102400000xf32, #tpu.memory_space<hbm>>
    tpu.enqueue_indirect_dma source(%arg14 : memref<1024xf32, #tpu.memory_space<vmem>>) target(%dma_start3A_86 : memref<102400000xf32, #tpu.memory_space<hbm>>) offsets(%arg6 : memref<1024xi32, #tpu.memory_space<vmem>>) semaphore(%arg24 : memref<!tpu.dma_semaphore, #tpu.memory_space<semaphore_mem>>)
    %dma_start3A_87 = arith.constant 0 : i32
    %dma_start3A_88 = tpu.memref_slice %arg2[%dma_start3A_87] : memref<102400000xf32, #tpu.memory_space<hbm>> -> memref<102400000xf32, #tpu.memory_space<hbm>>
    tpu.enqueue_indirect_dma source(%arg15 : memref<1024xf32, #tpu.memory_space<vmem>>) target(%dma_start3A_88 : memref<102400000xf32, #tpu.memory_space<hbm>>) offsets(%arg7 : memref<1024xi32, #tpu.memory_space<vmem>>) semaphore(%arg24 : memref<!tpu.dma_semaphore, #tpu.memory_space<semaphore_mem>>)
    %dma_start3A_89 = arith.constant 0 : i32
    %dma_start3A_90 = tpu.memref_slice %arg2[%dma_start3A_89] : memref<102400000xf32, #tpu.memory_space<hbm>> -> memref<102400000xf32, #tpu.memory_space<hbm>>
    tpu.enqueue_indirect_dma source(%arg16 : memref<1024xf32, #tpu.memory_space<vmem>>) target(%dma_start3A_90 : memref<102400000xf32, #tpu.memory_space<hbm>>) offsets(%arg8 : memref<1024xi32, #tpu.memory_space<vmem>>) semaphore(%arg24 : memref<!tpu.dma_semaphore, #tpu.memory_space<semaphore_mem>>)
    %dma_start3A_91 = arith.constant 0 : i32
    %dma_start3A_92 = tpu.memref_slice %arg2[%dma_start3A_91] : memref<102400000xf32, #tpu.memory_space<hbm>> -> memref<102400000xf32, #tpu.memory_space<hbm>>
    tpu.enqueue_indirect_dma source(%arg17 : memref<1024xf32, #tpu.memory_space<vmem>>) target(%dma_start3A_92 : memref<102400000xf32, #tpu.memory_space<hbm>>) offsets(%arg9 : memref<1024xi32, #tpu.memory_space<vmem>>) semaphore(%arg24 : memref<!tpu.dma_semaphore, #tpu.memory_space<semaphore_mem>>)
    %dma_start3A_93 = arith.constant 0 : i32
    %dma_start3A_94 = tpu.memref_slice %arg2[%dma_start3A_93] : memref<102400000xf32, #tpu.memory_space<hbm>> -> memref<102400000xf32, #tpu.memory_space<hbm>>
    tpu.enqueue_indirect_dma source(%arg18 : memref<1024xf32, #tpu.memory_space<vmem>>) target(%dma_start3A_94 : memref<102400000xf32, #tpu.memory_space<hbm>>) offsets(%arg10 : memref<1024xi32, #tpu.memory_space<vmem>>) semaphore(%arg24 : memref<!tpu.dma_semaphore, #tpu.memory_space<semaphore_mem>>)
    %dma_start3A_95 = arith.constant 0 : i32
    %dma_start3A_96 = tpu.memref_slice %arg2[%dma_start3A_95] : memref<102400000xf32, #tpu.memory_space<hbm>> -> memref<102400000xf32, #tpu.memory_space<hbm>>
    tpu.enqueue_indirect_dma source(%arg19 : memref<1024xf32, #tpu.memory_space<vmem>>) target(%dma_start3A_96 : memref<102400000xf32, #tpu.memory_space<hbm>>) offsets(%arg11 : memref<1024xi32, #tpu.memory_space<vmem>>) semaphore(%arg24 : memref<!tpu.dma_semaphore, #tpu.memory_space<semaphore_mem>>)
    %dma_start3A_97 = arith.constant 0 : i32
    %dma_start3A_98 = tpu.memref_slice %arg2[%dma_start3A_97] : memref<102400000xf32, #tpu.memory_space<hbm>> -> memref<102400000xf32, #tpu.memory_space<hbm>>
    tpu.enqueue_indirect_dma source(%arg20 : memref<1024xf32, #tpu.memory_space<vmem>>) target(%dma_start3A_98 : memref<102400000xf32, #tpu.memory_space<hbm>>) offsets(%arg12 : memref<1024xi32, #tpu.memory_space<vmem>>) semaphore(%arg24 : memref<!tpu.dma_semaphore, #tpu.memory_space<semaphore_mem>>)
    %dma_start3A_99 = arith.constant 0 : i32
    %dma_start3A_100 = tpu.memref_slice %arg2[%dma_start3A_99] : memref<102400000xf32, #tpu.memory_space<hbm>> -> memref<102400000xf32, #tpu.memory_space<hbm>>
    tpu.enqueue_indirect_dma source(%arg21 : memref<1024xf32, #tpu.memory_space<vmem>>) target(%dma_start3A_100 : memref<102400000xf32, #tpu.memory_space<hbm>>) offsets(%arg13 : memref<1024xi32, #tpu.memory_space<vmem>>) semaphore(%arg24 : memref<!tpu.dma_semaphore, #tpu.memory_space<semaphore_mem>>)
    %dma_wait3A_101 = arith.constant 0 : i32
    %dma_wait3A_102 = tpu.memref_slice %arg2[%dma_wait3A_101] : memref<102400000xf32, #tpu.memory_space<hbm>> -> memref<102400000xf32, #tpu.memory_space<hbm>>
    tpu.wait_indirect_dma semaphore(%arg24 : memref<!tpu.dma_semaphore, #tpu.memory_space<semaphore_mem>>) src(%arg14 : memref<1024xf32, #tpu.memory_space<vmem>>) dst(%dma_wait3A_102 : memref<102400000xf32, #tpu.memory_space<hbm>>)
    %dma_wait3A_103 = arith.constant 0 : i32
    %dma_wait3A_104 = tpu.memref_slice %arg2[%dma_wait3A_103] : memref<102400000xf32, #tpu.memory_space<hbm>> -> memref<102400000xf32, #tpu.memory_space<hbm>>
    tpu.wait_indirect_dma semaphore(%arg24 : memref<!tpu.dma_semaphore, #tpu.memory_space<semaphore_mem>>) src(%arg15 : memref<1024xf32, #tpu.memory_space<vmem>>) dst(%dma_wait3A_104 : memref<102400000xf32, #tpu.memory_space<hbm>>)
    %dma_wait3A_105 = arith.constant 0 : i32
    %dma_wait3A_106 = tpu.memref_slice %arg2[%dma_wait3A_105] : memref<102400000xf32, #tpu.memory_space<hbm>> -> memref<102400000xf32, #tpu.memory_space<hbm>>
    tpu.wait_indirect_dma semaphore(%arg24 : memref<!tpu.dma_semaphore, #tpu.memory_space<semaphore_mem>>) src(%arg16 : memref<1024xf32, #tpu.memory_space<vmem>>) dst(%dma_wait3A_106 : memref<102400000xf32, #tpu.memory_space<hbm>>)
    %dma_wait3A_107 = arith.constant 0 : i32
    %dma_wait3A_108 = tpu.memref_slice %arg2[%dma_wait3A_107] : memref<102400000xf32, #tpu.memory_space<hbm>> -> memref<102400000xf32, #tpu.memory_space<hbm>>
    tpu.wait_indirect_dma semaphore(%arg24 : memref<!tpu.dma_semaphore, #tpu.memory_space<semaphore_mem>>) src(%arg17 : memref<1024xf32, #tpu.memory_space<vmem>>) dst(%dma_wait3A_108 : memref<102400000xf32, #tpu.memory_space<hbm>>)
    %dma_wait3A_109 = arith.constant 0 : i32
    %dma_wait3A_110 = tpu.memref_slice %arg2[%dma_wait3A_109] : memref<102400000xf32, #tpu.memory_space<hbm>> -> memref<102400000xf32, #tpu.memory_space<hbm>>
    tpu.wait_indirect_dma semaphore(%arg24 : memref<!tpu.dma_semaphore, #tpu.memory_space<semaphore_mem>>) src(%arg18 : memref<1024xf32, #tpu.memory_space<vmem>>) dst(%dma_wait3A_110 : memref<102400000xf32, #tpu.memory_space<hbm>>)
    %dma_wait3A_111 = arith.constant 0 : i32
    %dma_wait3A_112 = tpu.memref_slice %arg2[%dma_wait3A_111] : memref<102400000xf32, #tpu.memory_space<hbm>> -> memref<102400000xf32, #tpu.memory_space<hbm>>
    tpu.wait_indirect_dma semaphore(%arg24 : memref<!tpu.dma_semaphore, #tpu.memory_space<semaphore_mem>>) src(%arg19 : memref<1024xf32, #tpu.memory_space<vmem>>) dst(%dma_wait3A_112 : memref<102400000xf32, #tpu.memory_space<hbm>>)
    %dma_wait3A_113 = arith.constant 0 : i32
    %dma_wait3A_114 = tpu.memref_slice %arg2[%dma_wait3A_113] : memref<102400000xf32, #tpu.memory_space<hbm>> -> memref<102400000xf32, #tpu.memory_space<hbm>>
    tpu.wait_indirect_dma semaphore(%arg24 : memref<!tpu.dma_semaphore, #tpu.memory_space<semaphore_mem>>) src(%arg20 : memref<1024xf32, #tpu.memory_space<vmem>>) dst(%dma_wait3A_114 : memref<102400000xf32, #tpu.memory_space<hbm>>)
    %dma_wait3A_115 = arith.constant 0 : i32
    %dma_wait3A_116 = tpu.memref_slice %arg2[%dma_wait3A_115] : memref<102400000xf32, #tpu.memory_space<hbm>> -> memref<102400000xf32, #tpu.memory_space<hbm>>
    tpu.wait_indirect_dma semaphore(%arg24 : memref<!tpu.dma_semaphore, #tpu.memory_space<semaphore_mem>>) src(%arg21 : memref<1024xf32, #tpu.memory_space<vmem>>) dst(%dma_wait3A_116 : memref<102400000xf32, #tpu.memory_space<hbm>>)
    return
  }
}

module attributes {stable_mosaic.version = 14 : i64} {
  func.func @ptrgen_prep(%arg0: i32, %arg1: memref<64x128xf32, #tpu.memory_space<vmem>>, %arg2: memref<128x128xf32, #tpu.memory_space<vmem>>, %arg3: memref<1x128xf32, #tpu.memory_space<vmem>>, %arg4: memref<128x3xf32, #tpu.memory_space<vmem>>, %arg5: memref<1x3xf32, #tpu.memory_space<vmem>>, %arg6: memref<64x200xf32, #tpu.memory_space<vmem>>, %arg7: memref<64x49xf32, #tpu.memory_space<vmem>>, %arg8: memref<64x256xi32, #tpu.memory_space<vmem>>, %arg9: memref<128x128xf32, #tpu.memory_space<vmem>>, %arg10: memref<64x1xf32, #tpu.memory_space<vmem>>) attributes {dimension_semantics = [#tpu.dimension_semantics<arbitrary>], iteration_bounds = array<i64: 16>, scalar_prefetch = 0 : i64, scratch_operands = 0 : i64, tpu.core_type = #tpu.core_type<tc>, window_params = [{transform_indices = @transform_0, window_bounds = array<i64: 64, 128>}, {pipeline_mode = #tpu.pipeline_mode<synchronous>, transform_indices = @transform_1, window_bounds = array<i64: 128, 128>}, {pipeline_mode = #tpu.pipeline_mode<synchronous>, transform_indices = @transform_2, window_bounds = array<i64: 1, 128>}, {pipeline_mode = #tpu.pipeline_mode<synchronous>, transform_indices = @transform_3, window_bounds = array<i64: 128, 3>}, {pipeline_mode = #tpu.pipeline_mode<synchronous>, transform_indices = @transform_4, window_bounds = array<i64: 1, 3>}, {transform_indices = @transform_5, window_bounds = array<i64: 64, 200>}, {transform_indices = @transform_6, window_bounds = array<i64: 64, 49>}, {transform_indices = @transform_7, window_bounds = array<i64: 64, 256>}, {transform_indices = @transform_8, window_bounds = array<i64: 128, 128>}, {transform_indices = @transform_9, window_bounds = array<i64: 64, 1>}]} {
    %get3A = arith.constant 0 : index
    %get3A_0 = arith.constant 0 : index
    %get3A_1 = vector.load %arg1[%get3A, %get3A_0] : memref<64x128xf32, #tpu.memory_space<vmem>>, vector<64x128xf32>
    %get3A_2 = arith.constant 0 : index
    %get3A_3 = arith.constant 0 : index
    %get3A_4 = vector.load %arg2[%get3A_2, %get3A_3] : memref<128x128xf32, #tpu.memory_space<vmem>>, vector<128x128xf32>
    %dot_general3A = arith.constant dense<0.000000e+00> : vector<64x128xf32>
    %dot_general3A_5 = tpu.matmul %get3A_1, %get3A_4, %dot_general3A {dimension_numbers = #tpu.dot_dimension_numbers<[1], [0], [0], [1], [0, 0, 1, 1], [], []>, transpose_lhs_hint = false} : vector<64x128xf32>, vector<128x128xf32>, vector<64x128xf32> -> vector<64x128xf32>
    %get3A_6 = arith.constant 0 : index
    %get3A_7 = arith.constant 0 : index
    %get3A_8 = vector.load %arg3[%get3A_6, %get3A_7] : memref<1x128xf32, #tpu.memory_space<vmem>>, vector<1x128xf32>
    %add3A = vector.broadcast %get3A_8 : vector<1x128xf32> to vector<64x128xf32>
    %add3A_9 = arith.addf %dot_general3A_5, %add3A : vector<64x128xf32>
    %tanh3A = math.tanh %add3A_9 : vector<64x128xf32>
    %get3A_10 = arith.constant 0 : index
    %get3A_11 = arith.constant 0 : index
    %get3A_12 = vector.load %arg4[%get3A_10, %get3A_11] : memref<128x3xf32, #tpu.memory_space<vmem>>, vector<128x3xf32>
    %dot_general3A_13 = arith.constant dense<0.000000e+00> : vector<64x3xf32>
    %dot_general3A_14 = tpu.matmul %tanh3A, %get3A_12, %dot_general3A_13 {dimension_numbers = #tpu.dot_dimension_numbers<[1], [0], [0], [1], [0, 0, 1, 1], [], []>, transpose_lhs_hint = false} : vector<64x128xf32>, vector<128x3xf32>, vector<64x3xf32> -> vector<64x3xf32>
    %get3A_15 = arith.constant 0 : index
    %get3A_16 = arith.constant 0 : index
    %get3A_17 = vector.load %arg5[%get3A_15, %get3A_16] : memref<1x3xf32, #tpu.memory_space<vmem>>, vector<1x3xf32>
    %add3A_18 = vector.broadcast %get3A_17 : vector<1x3xf32> to vector<64x3xf32>
    %add3A_19 = arith.addf %dot_general3A_14, %add3A_18 : vector<64x3xf32>
    %reduce_max3A = arith.constant dense<0xFF800000> : vector<64xf32>
    %reduce_max3A_20 = vector.multi_reduction <maximumf>, %add3A_19, %reduce_max3A [1] : vector<64x3xf32> to vector<64xf32>
    %broadcast_in_dim3A = vector.shape_cast %reduce_max3A_20 : vector<64xf32> to vector<64x1xf32>
    %sub3A = vector.broadcast %broadcast_in_dim3A : vector<64x1xf32> to vector<64x3xf32>
    %sub3A_21 = arith.subf %add3A_19, %sub3A : vector<64x3xf32>
    %exp3A = math.exp %sub3A_21 : vector<64x3xf32>
    %reduce_sum3A = arith.constant dense<0.000000e+00> : vector<64xf32>
    %reduce_sum3A_22 = vector.multi_reduction <add>, %exp3A, %reduce_sum3A [1] : vector<64x3xf32> to vector<64xf32>
    %broadcast_in_dim3A_23 = vector.shape_cast %reduce_sum3A_22 : vector<64xf32> to vector<64x1xf32>
    %div3A = vector.broadcast %broadcast_in_dim3A_23 : vector<64x1xf32> to vector<64x3xf32>
    %div3A_24 = arith.divf %exp3A, %div3A : vector<64x3xf32>
    %slice3A = vector.extract_strided_slice %div3A_24 {offsets = [0, 0], sizes = [64, 1], strides = [1, 1]} : vector<64x3xf32> to vector<64x1xf32>
    %swap3A = arith.constant 0 : index
    %swap3A_25 = arith.constant 0 : index
    %swap3A_26 = vector.load %arg10[%swap3A, %swap3A_25] : memref<64x1xf32, #tpu.memory_space<vmem>>, vector<64x1xf32>
    tpu.vector_store %arg10[%swap3A, %swap3A_25], %slice3A {strides = array<i32>} : memref<64x1xf32, #tpu.memory_space<vmem>>, vector<64x1xf32>,
    %get3A_27 = arith.constant 0 : index
    %get3A_28 = arith.constant 0 : index
    %get3A_29 = vector.load %arg6[%get3A_27, %get3A_28] : memref<64x200xf32, #tpu.memory_space<vmem>>, vector<64x200xf32>
    %reduce_max3A_30 = arith.constant dense<0xFF800000> : vector<64xf32>
    %reduce_max3A_31 = vector.multi_reduction <maximumf>, %get3A_29, %reduce_max3A_30 [1] : vector<64x200xf32> to vector<64xf32>
    %broadcast_in_dim3A_32 = vector.shape_cast %reduce_max3A_31 : vector<64xf32> to vector<64x1xf32>
    %sub3A_33 = vector.broadcast %broadcast_in_dim3A_32 : vector<64x1xf32> to vector<64x200xf32>
    %sub3A_34 = arith.subf %get3A_29, %sub3A_33 : vector<64x200xf32>
    %exp3A_35 = math.exp %sub3A_34 : vector<64x200xf32>
    %reduce_sum3A_36 = arith.constant dense<0.000000e+00> : vector<64xf32>
    %reduce_sum3A_37 = vector.multi_reduction <add>, %exp3A_35, %reduce_sum3A_36 [1] : vector<64x200xf32> to vector<64xf32>
    %broadcast_in_dim3A_38 = vector.shape_cast %reduce_sum3A_37 : vector<64xf32> to vector<64x1xf32>
    %div3A_39 = vector.broadcast %broadcast_in_dim3A_38 : vector<64x1xf32> to vector<64x200xf32>
    %div3A_40 = arith.divf %exp3A_35, %div3A_39 : vector<64x200xf32>
    %get3A_41 = arith.constant 0 : index
    %get3A_42 = arith.constant 0 : index
    %get3A_43 = vector.load %arg7[%get3A_41, %get3A_42] : memref<64x49xf32, #tpu.memory_space<vmem>>, vector<64x49xf32>
    %reduce_max3A_44 = arith.constant dense<0xFF800000> : vector<64xf32>
    %reduce_max3A_45 = vector.multi_reduction <maximumf>, %get3A_43, %reduce_max3A_44 [1] : vector<64x49xf32> to vector<64xf32>
    %broadcast_in_dim3A_46 = vector.shape_cast %reduce_max3A_45 : vector<64xf32> to vector<64x1xf32>
    %sub3A_47 = vector.broadcast %broadcast_in_dim3A_46 : vector<64x1xf32> to vector<64x49xf32>
    %sub3A_48 = arith.subf %get3A_43, %sub3A_47 : vector<64x49xf32>
    %exp3A_49 = math.exp %sub3A_48 : vector<64x49xf32>
    %reduce_sum3A_50 = arith.constant dense<0.000000e+00> : vector<64xf32>
    %reduce_sum3A_51 = vector.multi_reduction <add>, %exp3A_49, %reduce_sum3A_50 [1] : vector<64x49xf32> to vector<64xf32>
    %broadcast_in_dim3A_52 = vector.shape_cast %reduce_sum3A_51 : vector<64xf32> to vector<64x1xf32>
    %div3A_53 = vector.broadcast %broadcast_in_dim3A_52 : vector<64x1xf32> to vector<64x49xf32>
    %div3A_54 = arith.divf %exp3A_49, %div3A_53 : vector<64x49xf32>
    %slice3A_55 = vector.extract_strided_slice %div3A_24 {offsets = [0, 1], sizes = [64, 1], strides = [1, 1]} : vector<64x3xf32> to vector<64x1xf32>
    %mul3A = vector.broadcast %slice3A_55 : vector<64x1xf32> to vector<64x200xf32>
    %mul3A_56 = arith.mulf %div3A_40, %mul3A : vector<64x200xf32>
    %slice3A_57 = vector.extract_strided_slice %div3A_24 {offsets = [0, 2], sizes = [64, 1], strides = [1, 1]} : vector<64x3xf32> to vector<64x1xf32>
    %mul3A_58 = vector.broadcast %slice3A_57 : vector<64x1xf32> to vector<64x49xf32>
    %mul3A_59 = arith.mulf %div3A_54, %mul3A_58 : vector<64x49xf32>
    %broadcast_in_dim3A_60 = arith.constant 0.000000e+00 : f32
    %broadcast_in_dim3A_61 = vector.broadcast %broadcast_in_dim3A_60 : f32 to vector<64x7xf32>
    %concatenate3A = tpu.concatenate %mul3A_56, %mul3A_59, %broadcast_in_dim3A_61 in 1 : vector<64x200xf32>, vector<64x49xf32>, vector<64x7xf32> -> vector<64x256xf32>
    %get3A_62 = arith.constant 0 : index
    %get3A_63 = arith.constant 0 : index
    %get3A_64 = vector.load %arg8[%get3A_62, %get3A_63] : memref<64x256xi32, #tpu.memory_space<vmem>>, vector<64x256xi32>
    %broadcast_in_dim3A_65 = vector.shape_cast %get3A_64 : vector<64x256xi32> to vector<64x256x1xi32>
    %broadcast_in_dim3A_66 = vector.shape_cast %get3A_64 : vector<64x256xi32> to vector<64x1x256xi32>
    %eq3A = vector.broadcast %broadcast_in_dim3A_65 : vector<64x256x1xi32> to vector<64x256x256xi32>
    %eq3A_67 = vector.broadcast %broadcast_in_dim3A_66 : vector<64x1x256xi32> to vector<64x256x256xi32>
    %eq3A_68 = arith.cmpi eq, %eq3A, %eq3A_67 : vector<64x256x256xi32>
    %broadcast_in_dim3A_69 = vector.shape_cast %concatenate3A : vector<64x256xf32> to vector<64x1x256xf32>
    %jit3A = arith.constant 0.000000e+00 : f32
    %broadcast_in_dim3A_70 = vector.shape_cast %broadcast_in_dim3A_69 : vector<64x1x256xf32> to vector<64x1x256xf32>
    %broadcast_in_dim3A_71 = vector.broadcast %broadcast_in_dim3A_70 : vector<64x1x256xf32> to vector<64x256x256xf32>
    %broadcast_in_dim3A_72 = vector.broadcast %jit3A : f32 to vector<64x256x256xf32>
    %select_n3A = arith.select %eq3A_68, %broadcast_in_dim3A_71, %broadcast_in_dim3A_72 : vector<64x256x256xi1>, vector<64x256x256xf32>
    %reduce_sum3A_73 = arith.constant dense<0.000000e+00> : vector<64x256xf32>
    %reduce_sum3A_74 = vector.multi_reduction <add>, %select_n3A, %reduce_sum3A_73 [2] : vector<64x256x256xf32> to vector<64x256xf32>
    %reshape3A = vector.shape_cast %reduce_sum3A_74 : vector<64x256xf32> to vector<128x128xf32>
    %swap3A_75 = arith.constant 0 : index
    %swap3A_76 = arith.constant 0 : index
    %swap3A_77 = vector.load %arg9[%swap3A_75, %swap3A_76] : memref<128x128xf32, #tpu.memory_space<vmem>>, vector<128x128xf32>
    tpu.vector_store %arg9[%swap3A_75, %swap3A_76], %reshape3A {strides = array<i32>} : memref<128x128xf32, #tpu.memory_space<vmem>>, vector<128x128xf32>,
    return
  }
  func.func @transform_0(%arg0: i32) -> (i32, i32) {
    %c0_i32 = arith.constant 0 : i32
    %c0_i32_0 = arith.constant 0 : i32
    return %arg0, %c0_i32 : i32, i32
  }
  func.func @transform_1(%arg0: i32) -> (i32, i32) {
    %c0_i32 = arith.constant 0 : i32
    %c0_i32_0 = arith.constant 0 : i32
    %c0_i32_1 = arith.constant 0 : i32
    return %c0_i32, %c0_i32_0 : i32, i32
  }
  func.func @transform_2(%arg0: i32) -> (i32, i32) {
    %c0_i32 = arith.constant 0 : i32
    %c0_i32_0 = arith.constant 0 : i32
    %c0_i32_1 = arith.constant 0 : i32
    return %c0_i32, %c0_i32_0 : i32, i32
  }
  func.func @transform_3(%arg0: i32) -> (i32, i32) {
    %c0_i32 = arith.constant 0 : i32
    %c0_i32_0 = arith.constant 0 : i32
    %c0_i32_1 = arith.constant 0 : i32
    return %c0_i32, %c0_i32_0 : i32, i32
  }
  func.func @transform_4(%arg0: i32) -> (i32, i32) {
    %c0_i32 = arith.constant 0 : i32
    %c0_i32_0 = arith.constant 0 : i32
    %c0_i32_1 = arith.constant 0 : i32
    return %c0_i32, %c0_i32_0 : i32, i32
  }
  func.func @transform_5(%arg0: i32) -> (i32, i32) {
    %c0_i32 = arith.constant 0 : i32
    %c0_i32_0 = arith.constant 0 : i32
    return %arg0, %c0_i32 : i32, i32
  }
  func.func @transform_6(%arg0: i32) -> (i32, i32) {
    %c0_i32 = arith.constant 0 : i32
    %c0_i32_0 = arith.constant 0 : i32
    return %arg0, %c0_i32 : i32, i32
  }
  func.func @transform_7(%arg0: i32) -> (i32, i32) {
    %c0_i32 = arith.constant 0 : i32
    %c0_i32_0 = arith.constant 0 : i32
    return %arg0, %c0_i32 : i32, i32
  }
  func.func @transform_8(%arg0: i32) -> (i32, i32) {
    %c0_i32 = arith.constant 0 : i32
    %c0_i32_0 = arith.constant 0 : i32
    return %arg0, %c0_i32 : i32, i32
  }
  func.func @transform_9(%arg0: i32) -> (i32, i32) {
    %c0_i32 = arith.constant 0 : i32
    %c0_i32_0 = arith.constant 0 : i32
    return %arg0, %c0_i32 : i32, i32
  }
}

module attributes {stable_mosaic.version = 14 : i64} {
  func.func @ptrgen_stats(%arg0: i32, %arg1: memref<129x1024xbf16, #tpu.memory_space<vmem>>, %arg2: memref<129x4096xbf16, #tpu.memory_space<vmem>>, %arg3: memref<1x1024xf32, #tpu.memory_space<vmem>>, %arg4: memref<1x1024xf32, #tpu.memory_space<vmem>>) attributes {dimension_semantics = [#tpu.dimension_semantics<arbitrary>], iteration_bounds = array<i64: 25>, scalar_prefetch = 0 : i64, scratch_operands = 0 : i64, tpu.core_type = #tpu.core_type<tc>, window_params = [{pipeline_mode = #tpu.pipeline_mode<synchronous>, transform_indices = @transform_0, window_bounds = array<i64: 129, 1024>}, {transform_indices = @transform_1, window_bounds = array<i64: 129, 4096>}, {pipeline_mode = #tpu.pipeline_mode<synchronous>, transform_indices = @transform_2, window_bounds = array<i64: 1, 1024>}, {pipeline_mode = #tpu.pipeline_mode<synchronous>, transform_indices = @transform_3, window_bounds = array<i64: 1, 1024>}]} {
    %eq3A = arith.constant 0 : i32
    %eq3A_0 = arith.cmpi eq, %arg0, %eq3A : i32
    %convert_element_type3A = arith.extui %eq3A_0 : i1 to i32
    %cond3A = arith.constant 0 : i32
    %cond3A_1 = arith.cmpi ne, %convert_element_type3A, %cond3A : i32
    scf.if %cond3A_1 {
      %broadcast_in_dim3A_25 = arith.constant -1.000000e+30 : f32
      %broadcast_in_dim3A_26 = vector.broadcast %broadcast_in_dim3A_25 : f32 to vector<1x1024xf32>
      %swap3A_27 = arith.constant 0 : index
      %swap3A_28 = arith.constant 0 : index
      %swap3A_29 = vector.load %arg3[%swap3A_27, %swap3A_28] : memref<1x1024xf32, #tpu.memory_space<vmem>>, vector<1x1024xf32>
      tpu.vector_store %arg3[%swap3A_27, %swap3A_28], %broadcast_in_dim3A_26 {strides = array<i32>} : memref<1x1024xf32, #tpu.memory_space<vmem>>, vector<1x1024xf32>,
      %broadcast_in_dim3A_30 = arith.constant 0.000000e+00 : f32
      %broadcast_in_dim3A_31 = vector.broadcast %broadcast_in_dim3A_30 : f32 to vector<1x1024xf32>
      %swap3A_32 = arith.constant 0 : index
      %swap3A_33 = arith.constant 0 : index
      %swap3A_34 = vector.load %arg4[%swap3A_32, %swap3A_33] : memref<1x1024xf32, #tpu.memory_space<vmem>>, vector<1x1024xf32>
      tpu.vector_store %arg4[%swap3A_32, %swap3A_33], %broadcast_in_dim3A_31 {strides = array<i32>} : memref<1x1024xf32, #tpu.memory_space<vmem>>, vector<1x1024xf32>,
    } else {
    }
    %get3A = arith.constant 0 : index
    %get3A_2 = arith.constant 0 : index
    %get3A_3 = vector.load %arg2[%get3A, %get3A_2] : memref<129x4096xbf16, #tpu.memory_space<vmem>>, vector<129x4096xbf16>
    %get3A_4 = arith.constant 0 : index
    %get3A_5 = arith.constant 0 : index
    %get3A_6 = vector.load %arg1[%get3A_4, %get3A_5] : memref<129x1024xbf16, #tpu.memory_space<vmem>>, vector<129x1024xbf16>
    %dot_general3A = arith.constant dense<0.000000e+00> : vector<4096x1024xf32>
    %dot_general3A_7 = tpu.matmul %get3A_3, %get3A_6, %dot_general3A {dimension_numbers = #tpu.dot_dimension_numbers<[0], [0], [1], [1], [0, 1, 1, 1], [], []>, transpose_lhs_hint = false} : vector<129x4096xbf16>, vector<129x1024xbf16>, vector<4096x1024xf32> -> vector<4096x1024xf32>
    %get3A_8 = arith.constant 0 : index
    %get3A_9 = arith.constant 0 : index
    %get3A_10 = vector.load %arg3[%get3A_8, %get3A_9] : memref<1x1024xf32, #tpu.memory_space<vmem>>, vector<1x1024xf32>
    %reduce_max3A = arith.constant dense<0xFF800000> : vector<1024xf32>
    %reduce_max3A_11 = vector.multi_reduction <maximumf>, %dot_general3A_7, %reduce_max3A [0] : vector<4096x1024xf32> to vector<1024xf32>
    %broadcast_in_dim3A = vector.shape_cast %reduce_max3A_11 : vector<1024xf32> to vector<1x1024xf32>
    %max3A = arith.maximumf %get3A_10, %broadcast_in_dim3A : vector<1x1024xf32>
    %sub3A = vector.broadcast %max3A : vector<1x1024xf32> to vector<4096x1024xf32>
    %sub3A_12 = arith.subf %dot_general3A_7, %sub3A : vector<4096x1024xf32>
    %exp3A = math.exp %sub3A_12 : vector<4096x1024xf32>
    %get3A_13 = arith.constant 0 : index
    %get3A_14 = arith.constant 0 : index
    %get3A_15 = vector.load %arg4[%get3A_13, %get3A_14] : memref<1x1024xf32, #tpu.memory_space<vmem>>, vector<1x1024xf32>
    %sub3A_16 = arith.subf %get3A_10, %max3A : vector<1x1024xf32>
    %exp3A_17 = math.exp %sub3A_16 : vector<1x1024xf32>
    %mul3A = arith.mulf %get3A_15, %exp3A_17 : vector<1x1024xf32>
    %reduce_sum3A = arith.constant dense<0.000000e+00> : vector<1024xf32>
    %reduce_sum3A_18 = vector.multi_reduction <add>, %exp3A, %reduce_sum3A [0] : vector<4096x1024xf32> to vector<1024xf32>
    %broadcast_in_dim3A_19 = vector.shape_cast %reduce_sum3A_18 : vector<1024xf32> to vector<1x1024xf32>
    %add3A = arith.addf %mul3A, %broadcast_in_dim3A_19 : vector<1x1024xf32>
    %swap3A = arith.constant 0 : index
    %swap3A_20 = arith.constant 0 : index
    %swap3A_21 = vector.load %arg4[%swap3A, %swap3A_20] : memref<1x1024xf32, #tpu.memory_space<vmem>>, vector<1x1024xf32>
    tpu.vector_store %arg4[%swap3A, %swap3A_20], %add3A {strides = array<i32>} : memref<1x1024xf32, #tpu.memory_space<vmem>>, vector<1x1024xf32>,
    %swap3A_22 = arith.constant 0 : index
    %swap3A_23 = arith.constant 0 : index
    %swap3A_24 = vector.load %arg3[%swap3A_22, %swap3A_23] : memref<1x1024xf32, #tpu.memory_space<vmem>>, vector<1x1024xf32>
    tpu.vector_store %arg3[%swap3A_22, %swap3A_23], %max3A {strides = array<i32>} : memref<1x1024xf32, #tpu.memory_space<vmem>>, vector<1x1024xf32>,
    return
  }
  func.func @transform_0(%arg0: i32) -> (i32, i32) {
    %c0_i32 = arith.constant 0 : i32
    %c0_i32_0 = arith.constant 0 : i32
    %c0_i32_1 = arith.constant 0 : i32
    return %c0_i32, %c0_i32_0 : i32, i32
  }
  func.func @transform_1(%arg0: i32) -> (i32, i32) {
    %c0_i32 = arith.constant 0 : i32
    %c0_i32_0 = arith.constant 0 : i32
    return %c0_i32, %arg0 : i32, i32
  }
  func.func @transform_2(%arg0: i32) -> (i32, i32) {
    %c0_i32 = arith.constant 0 : i32
    %c0_i32_0 = arith.constant 0 : i32
    %c0_i32_1 = arith.constant 0 : i32
    return %c0_i32, %c0_i32_0 : i32, i32
  }
  func.func @transform_3(%arg0: i32) -> (i32, i32) {
    %c0_i32 = arith.constant 0 : i32
    %c0_i32_0 = arith.constant 0 : i32
    %c0_i32_1 = arith.constant 0 : i32
    return %c0_i32, %c0_i32_0 : i32, i32
  }
}

module attributes {stable_mosaic.version = 14 : i64} {
  func.func @ptrgen_emit(%arg0: i32, %arg1: memref<129x1024xbf16, #tpu.memory_space<vmem>>, %arg2: memref<129x2048xbf16, #tpu.memory_space<vmem>>, %arg3: memref<1x1024xf32, #tpu.memory_space<vmem>>, %arg4: memref<1x1024xf32, #tpu.memory_space<vmem>>, %arg5: memref<1x1024xf32, #tpu.memory_space<vmem>>, %arg6: memref<256x8x8x128xf32, #tpu.memory_space<vmem>>) attributes {dimension_semantics = [#tpu.dimension_semantics<arbitrary>], iteration_bounds = array<i64: 49>, scalar_prefetch = 0 : i64, scratch_operands = 0 : i64, tpu.core_type = #tpu.core_type<tc>, window_params = [{pipeline_mode = #tpu.pipeline_mode<synchronous>, transform_indices = @transform_0, window_bounds = array<i64: 129, 1024>}, {transform_indices = @transform_1, window_bounds = array<i64: 129, 2048>}, {pipeline_mode = #tpu.pipeline_mode<synchronous>, transform_indices = @transform_2, window_bounds = array<i64: 1, 1024>}, {pipeline_mode = #tpu.pipeline_mode<synchronous>, transform_indices = @transform_3, window_bounds = array<i64: 1, 1024>}, {pipeline_mode = #tpu.pipeline_mode<synchronous>, transform_indices = @transform_4, window_bounds = array<i64: 1, 1024>}, {transform_indices = @transform_5, window_bounds = array<i64: 256, 8, 8, 128>}]} {
    %get3A = arith.constant 0 : index
    %get3A_0 = arith.constant 0 : index
    %get3A_1 = vector.load %arg2[%get3A, %get3A_0] : memref<129x2048xbf16, #tpu.memory_space<vmem>>, vector<129x2048xbf16>
    %get3A_2 = arith.constant 0 : index
    %get3A_3 = arith.constant 0 : index
    %get3A_4 = vector.load %arg1[%get3A_2, %get3A_3] : memref<129x1024xbf16, #tpu.memory_space<vmem>>, vector<129x1024xbf16>
    %dot_general3A = arith.constant dense<0.000000e+00> : vector<2048x1024xf32>
    %dot_general3A_5 = tpu.matmul %get3A_1, %get3A_4, %dot_general3A {dimension_numbers = #tpu.dot_dimension_numbers<[0], [0], [1], [1], [0, 1, 1, 1], [], []>, transpose_lhs_hint = false} : vector<129x2048xbf16>, vector<129x1024xbf16>, vector<2048x1024xf32> -> vector<2048x1024xf32>
    %get3A_6 = arith.constant 0 : index
    %get3A_7 = arith.constant 0 : index
    %get3A_8 = vector.load %arg3[%get3A_6, %get3A_7] : memref<1x1024xf32, #tpu.memory_space<vmem>>, vector<1x1024xf32>
    %sub3A = vector.broadcast %get3A_8 : vector<1x1024xf32> to vector<2048x1024xf32>
    %sub3A_9 = arith.subf %dot_general3A_5, %sub3A : vector<2048x1024xf32>
    %exp3A = math.exp %sub3A_9 : vector<2048x1024xf32>
    %get3A_10 = arith.constant 0 : index
    %get3A_11 = arith.constant 0 : index
    %get3A_12 = vector.load %arg5[%get3A_10, %get3A_11] : memref<1x1024xf32, #tpu.memory_space<vmem>>, vector<1x1024xf32>
    %get3A_13 = arith.constant 0 : index
    %get3A_14 = arith.constant 0 : index
    %get3A_15 = vector.load %arg4[%get3A_13, %get3A_14] : memref<1x1024xf32, #tpu.memory_space<vmem>>, vector<1x1024xf32>
    %div3A = arith.divf %get3A_12, %get3A_15 : vector<1x1024xf32>
    %mul3A = vector.broadcast %div3A : vector<1x1024xf32> to vector<2048x1024xf32>
    %mul3A_16 = arith.mulf %exp3A, %mul3A : vector<2048x1024xf32>
    %slice3A = vector.extract_strided_slice %mul3A_16 {offsets = [0, 0], sizes = [2048, 128], strides = [1, 1]} : vector<2048x1024xf32> to vector<2048x128xf32>
    %reshape3A = vector.shape_cast %slice3A : vector<2048x128xf32> to vector<256x8x128xf32>
    %swap3A = arith.constant 0 : index
    %swap3A_17 = arith.constant 0 : index
    %swap3A_18 = arith.constant 0 : index
    %swap3A_19 = arith.constant 0 : index
    %swap3A_20 = vector.load %arg6[%swap3A, %swap3A_17, %swap3A_18, %swap3A_19] : memref<256x8x8x128xf32, #tpu.memory_space<vmem>>, vector<256x1x8x128xf32>
    %swap3A_21 = vector.shape_cast %swap3A_20 : vector<256x1x8x128xf32> to vector<256x8x128xf32>
    %swap3A_22 = vector.shape_cast %reshape3A : vector<256x8x128xf32> to vector<256x1x8x128xf32>
    tpu.vector_store %arg6[%swap3A, %swap3A_17, %swap3A_18, %swap3A_19], %swap3A_22 {strides = array<i32>} : memref<256x8x8x128xf32, #tpu.memory_space<vmem>>, vector<256x1x8x128xf32>,
    %slice3A_23 = vector.extract_strided_slice %mul3A_16 {offsets = [0, 128], sizes = [2048, 128], strides = [1, 1]} : vector<2048x1024xf32> to vector<2048x128xf32>
    %reshape3A_24 = vector.shape_cast %slice3A_23 : vector<2048x128xf32> to vector<256x8x128xf32>
    %swap3A_25 = arith.constant 0 : index
    %swap3A_26 = arith.constant 1 : index
    %swap3A_27 = arith.constant 0 : index
    %swap3A_28 = arith.constant 0 : index
    %swap3A_29 = vector.load %arg6[%swap3A_25, %swap3A_26, %swap3A_27, %swap3A_28] : memref<256x8x8x128xf32, #tpu.memory_space<vmem>>, vector<256x1x8x128xf32>
    %swap3A_30 = vector.shape_cast %swap3A_29 : vector<256x1x8x128xf32> to vector<256x8x128xf32>
    %swap3A_31 = vector.shape_cast %reshape3A_24 : vector<256x8x128xf32> to vector<256x1x8x128xf32>
    tpu.vector_store %arg6[%swap3A_25, %swap3A_26, %swap3A_27, %swap3A_28], %swap3A_31 {strides = array<i32>} : memref<256x8x8x128xf32, #tpu.memory_space<vmem>>, vector<256x1x8x128xf32>,
    %slice3A_32 = vector.extract_strided_slice %mul3A_16 {offsets = [0, 256], sizes = [2048, 128], strides = [1, 1]} : vector<2048x1024xf32> to vector<2048x128xf32>
    %reshape3A_33 = vector.shape_cast %slice3A_32 : vector<2048x128xf32> to vector<256x8x128xf32>
    %swap3A_34 = arith.constant 0 : index
    %swap3A_35 = arith.constant 2 : index
    %swap3A_36 = arith.constant 0 : index
    %swap3A_37 = arith.constant 0 : index
    %swap3A_38 = vector.load %arg6[%swap3A_34, %swap3A_35, %swap3A_36, %swap3A_37] : memref<256x8x8x128xf32, #tpu.memory_space<vmem>>, vector<256x1x8x128xf32>
    %swap3A_39 = vector.shape_cast %swap3A_38 : vector<256x1x8x128xf32> to vector<256x8x128xf32>
    %swap3A_40 = vector.shape_cast %reshape3A_33 : vector<256x8x128xf32> to vector<256x1x8x128xf32>
    tpu.vector_store %arg6[%swap3A_34, %swap3A_35, %swap3A_36, %swap3A_37], %swap3A_40 {strides = array<i32>} : memref<256x8x8x128xf32, #tpu.memory_space<vmem>>, vector<256x1x8x128xf32>,
    %slice3A_41 = vector.extract_strided_slice %mul3A_16 {offsets = [0, 384], sizes = [2048, 128], strides = [1, 1]} : vector<2048x1024xf32> to vector<2048x128xf32>
    %reshape3A_42 = vector.shape_cast %slice3A_41 : vector<2048x128xf32> to vector<256x8x128xf32>
    %swap3A_43 = arith.constant 0 : index
    %swap3A_44 = arith.constant 3 : index
    %swap3A_45 = arith.constant 0 : index
    %swap3A_46 = arith.constant 0 : index
    %swap3A_47 = vector.load %arg6[%swap3A_43, %swap3A_44, %swap3A_45, %swap3A_46] : memref<256x8x8x128xf32, #tpu.memory_space<vmem>>, vector<256x1x8x128xf32>
    %swap3A_48 = vector.shape_cast %swap3A_47 : vector<256x1x8x128xf32> to vector<256x8x128xf32>
    %swap3A_49 = vector.shape_cast %reshape3A_42 : vector<256x8x128xf32> to vector<256x1x8x128xf32>
    tpu.vector_store %arg6[%swap3A_43, %swap3A_44, %swap3A_45, %swap3A_46], %swap3A_49 {strides = array<i32>} : memref<256x8x8x128xf32, #tpu.memory_space<vmem>>, vector<256x1x8x128xf32>,
    %slice3A_50 = vector.extract_strided_slice %mul3A_16 {offsets = [0, 512], sizes = [2048, 128], strides = [1, 1]} : vector<2048x1024xf32> to vector<2048x128xf32>
    %reshape3A_51 = vector.shape_cast %slice3A_50 : vector<2048x128xf32> to vector<256x8x128xf32>
    %swap3A_52 = arith.constant 0 : index
    %swap3A_53 = arith.constant 4 : index
    %swap3A_54 = arith.constant 0 : index
    %swap3A_55 = arith.constant 0 : index
    %swap3A_56 = vector.load %arg6[%swap3A_52, %swap3A_53, %swap3A_54, %swap3A_55] : memref<256x8x8x128xf32, #tpu.memory_space<vmem>>, vector<256x1x8x128xf32>
    %swap3A_57 = vector.shape_cast %swap3A_56 : vector<256x1x8x128xf32> to vector<256x8x128xf32>
    %swap3A_58 = vector.shape_cast %reshape3A_51 : vector<256x8x128xf32> to vector<256x1x8x128xf32>
    tpu.vector_store %arg6[%swap3A_52, %swap3A_53, %swap3A_54, %swap3A_55], %swap3A_58 {strides = array<i32>} : memref<256x8x8x128xf32, #tpu.memory_space<vmem>>, vector<256x1x8x128xf32>,
    %slice3A_59 = vector.extract_strided_slice %mul3A_16 {offsets = [0, 640], sizes = [2048, 128], strides = [1, 1]} : vector<2048x1024xf32> to vector<2048x128xf32>
    %reshape3A_60 = vector.shape_cast %slice3A_59 : vector<2048x128xf32> to vector<256x8x128xf32>
    %swap3A_61 = arith.constant 0 : index
    %swap3A_62 = arith.constant 5 : index
    %swap3A_63 = arith.constant 0 : index
    %swap3A_64 = arith.constant 0 : index
    %swap3A_65 = vector.load %arg6[%swap3A_61, %swap3A_62, %swap3A_63, %swap3A_64] : memref<256x8x8x128xf32, #tpu.memory_space<vmem>>, vector<256x1x8x128xf32>
    %swap3A_66 = vector.shape_cast %swap3A_65 : vector<256x1x8x128xf32> to vector<256x8x128xf32>
    %swap3A_67 = vector.shape_cast %reshape3A_60 : vector<256x8x128xf32> to vector<256x1x8x128xf32>
    tpu.vector_store %arg6[%swap3A_61, %swap3A_62, %swap3A_63, %swap3A_64], %swap3A_67 {strides = array<i32>} : memref<256x8x8x128xf32, #tpu.memory_space<vmem>>, vector<256x1x8x128xf32>,
    %slice3A_68 = vector.extract_strided_slice %mul3A_16 {offsets = [0, 768], sizes = [2048, 128], strides = [1, 1]} : vector<2048x1024xf32> to vector<2048x128xf32>
    %reshape3A_69 = vector.shape_cast %slice3A_68 : vector<2048x128xf32> to vector<256x8x128xf32>
    %swap3A_70 = arith.constant 0 : index
    %swap3A_71 = arith.constant 6 : index
    %swap3A_72 = arith.constant 0 : index
    %swap3A_73 = arith.constant 0 : index
    %swap3A_74 = vector.load %arg6[%swap3A_70, %swap3A_71, %swap3A_72, %swap3A_73] : memref<256x8x8x128xf32, #tpu.memory_space<vmem>>, vector<256x1x8x128xf32>
    %swap3A_75 = vector.shape_cast %swap3A_74 : vector<256x1x8x128xf32> to vector<256x8x128xf32>
    %swap3A_76 = vector.shape_cast %reshape3A_69 : vector<256x8x128xf32> to vector<256x1x8x128xf32>
    tpu.vector_store %arg6[%swap3A_70, %swap3A_71, %swap3A_72, %swap3A_73], %swap3A_76 {strides = array<i32>} : memref<256x8x8x128xf32, #tpu.memory_space<vmem>>, vector<256x1x8x128xf32>,
    %slice3A_77 = vector.extract_strided_slice %mul3A_16 {offsets = [0, 896], sizes = [2048, 128], strides = [1, 1]} : vector<2048x1024xf32> to vector<2048x128xf32>
    %reshape3A_78 = vector.shape_cast %slice3A_77 : vector<2048x128xf32> to vector<256x8x128xf32>
    %swap3A_79 = arith.constant 0 : index
    %swap3A_80 = arith.constant 7 : index
    %swap3A_81 = arith.constant 0 : index
    %swap3A_82 = arith.constant 0 : index
    %swap3A_83 = vector.load %arg6[%swap3A_79, %swap3A_80, %swap3A_81, %swap3A_82] : memref<256x8x8x128xf32, #tpu.memory_space<vmem>>, vector<256x1x8x128xf32>
    %swap3A_84 = vector.shape_cast %swap3A_83 : vector<256x1x8x128xf32> to vector<256x8x128xf32>
    %swap3A_85 = vector.shape_cast %reshape3A_78 : vector<256x8x128xf32> to vector<256x1x8x128xf32>
    tpu.vector_store %arg6[%swap3A_79, %swap3A_80, %swap3A_81, %swap3A_82], %swap3A_85 {strides = array<i32>} : memref<256x8x8x128xf32, #tpu.memory_space<vmem>>, vector<256x1x8x128xf32>,
    return
  }
  func.func @transform_0(%arg0: i32) -> (i32, i32) {
    %c0_i32 = arith.constant 0 : i32
    %c0_i32_0 = arith.constant 0 : i32
    %c0_i32_1 = arith.constant 0 : i32
    return %c0_i32, %c0_i32_0 : i32, i32
  }
  func.func @transform_1(%arg0: i32) -> (i32, i32) {
    %c0_i32 = arith.constant 0 : i32
    %c0_i32_0 = arith.constant 0 : i32
    return %c0_i32, %arg0 : i32, i32
  }
  func.func @transform_2(%arg0: i32) -> (i32, i32) {
    %c0_i32 = arith.constant 0 : i32
    %c0_i32_0 = arith.constant 0 : i32
    %c0_i32_1 = arith.constant 0 : i32
    return %c0_i32, %c0_i32_0 : i32, i32
  }
  func.func @transform_3(%arg0: i32) -> (i32, i32) {
    %c0_i32 = arith.constant 0 : i32
    %c0_i32_0 = arith.constant 0 : i32
    %c0_i32_1 = arith.constant 0 : i32
    return %c0_i32, %c0_i32_0 : i32, i32
  }
  func.func @transform_4(%arg0: i32) -> (i32, i32) {
    %c0_i32 = arith.constant 0 : i32
    %c0_i32_0 = arith.constant 0 : i32
    %c0_i32_1 = arith.constant 0 : i32
    return %c0_i32, %c0_i32_0 : i32, i32
  }
  func.func @transform_5(%arg0: i32) -> (i32, i32, i32, i32) {
    %c0_i32 = arith.constant 0 : i32
    %c0_i32_0 = arith.constant 0 : i32
    %c0_i32_1 = arith.constant 0 : i32
    %c0_i32_2 = arith.constant 0 : i32
    return %arg0, %c0_i32, %c0_i32_0, %c0_i32_1 : i32, i32, i32, i32
  }
}

</mosaic_0001>

<sc_bundles>
// kernel: ptrgen_scatter.3.cloned.1.call-start
scs
__scs_entry_jumppad:
0x0: {  	(pc) =	sbr.rel $0x88, $3  }
0x1: {  	(tag) =	ssettag $0x0;
	lr =	simm.s32 $0x1  }
0x2: {  	[smem:$0x3F96] =	sst lr;
	_ =	strace $0xD0000000  }
0x3: {  	_ = 	snop  }
0x4: {  	_ = 	snop  }
0x5: {  	_ = 	snop  }
0x6: {  	_ = 	snop  }
0x7: {  	_ = 	snop  }
__scs_overlays_trampoline_lowered:
0x8: {  	[smem:$0x3FA5] =	sst s0  }
0x9: {  	[smem:$0x3FA6] =	sst s1  }
0xa: {  	[smem:$0x3FA7] =	sst s2  }
0xb: {  	[smem:$0x3FA8] =	sst s3  }
0xc: {  	[smem:$0x3FA9] =	sst s4  }
0xd: {  	[smem:$0x3FAA] =	sst s5  }
0xe: {  	[smem:$0x3FAB] =	sst s6  }
0xf: {  	[smem:$0x3FAC] =	sst s7  }
0x10: {  	[smem:$0x3FAD] =	sst s8  }
0x11: {  	[smem:$0x3FAE] =	sst s9;
	s0 =	simm.s32 @!p0 $0x0  }
0x12: {  	s1 =	sld [smem:$0x3F94];
	s0 =	simm.s32 @p0 $0x1  }
0x13: {  	[smem:$0x3FAF] =	sst s0;
	s0 =	simm.s32 @!p1 $0x0  }
0x14: {  	s2 =	sld [smem:$0x3F93];
	s0 =	simm.s32 @p1 $0x1  }
0x15: {  	[smem:$0x3FB0] =	sst s0;
	s0 =	simm.s32 @!p2 $0x0  }
0x16: {  	s3 =	sld [smem:$0x3FDB];
	s0 =	simm.s32 @p2 $0x1  }
0x17: {  	s4 =	simm.s32 $0x1BF5;
	[smem:$0x3FB2] =	sst s0  }
0x18: {  	s0 =	sld [smem:$0x3F95];
	_ =	swait.ge [sflag:s4], $0x0  }
0x19: {  	s7 =	sld [smem:$0x3F96]  }
0x1a: {  	s8 =	sadd.s32 $0xFFFFE003, lr  }
0x1b: {  	s9 =	sadd.s32 $0xFFFFFEF7, lr;
	s5 =	simm.s32 $0xFFFFFFFF;
	p2 =	slt.u32 s8, $0xFFFFF086  }
0x1c: {  	p1 =	slt.u32 s9, $0xF7A;
	s5 =	simm.s32 @!p2 $0x0  }
0x1d: {  	s5 =	simm.s32 @p1 $0x1;
	p0 =	seq.s32 s7, s2  }
0x1e: {  	s7 =	smul.u32 @!p0 $0xF7A, s2;
	p2 =	seq.s32 @!p0 s5, $0x0  }
0x1f: {  	s9 =	smul.u32 $0xF7A, s1;
	s8 =	simm.s32 @!p0 $0x1BF5;
	p2 =	por !p2, p0  }
0x20: {  	[sflag:s8] =	ssyncset.s32 @!p0 $0xFFFFF086;
	s6 =	sadd.s32 @!p0 s3, s7;
	s7 =	simm.s32 @!p0 $0x108  }
0x21: {  	s3 =	sadd.s32 s3, s9;
	s6 =	sadd.s32 @!p0 $0x88, s6;
	s7 =	simm.s32 @p2 $0x1082  }
0x22: {  	[simem:s7], [sflag:s8] =	dma.local @!p0 [hbm:s6], $0xF7A  }
0x23: {  	s9 =	sor.u32 $0xD0000000, s2;
	s6 =	simm.s32 $0x108;
	_ =	swait.ge @!p0 [sflag:s8], $0x0  }
0x24: {  	s3 =	sadd.s32 $0x88, s3;
	s6 =	simm.s32 @!p1 $0x1082;
	[sflag:s4] =	ssyncset.s32 $0xFFFFF086  }
0x25: {  	[simem:s6], [sflag:s4] =	dma.local [hbm:s3], $0xF7A  }
0x26: {  	[smem:$0x3F96] =	sst s1;
	(tag) =	ssettag s2;
	_ =	strace s9  }
0x27: {  	s1 =	sld [smem:$0x3FA6]  }
0x28: {  	s2 =	sld [smem:$0x3FA7]  }
0x29: {  	s4 =	sld [smem:$0x3FA9]  }
0x2a: {  	p0 =	seq.s32 s5, $0x0;
	s5 =	sld [smem:$0x3FAA]  }
0x2b: {  	s6 =	sld [smem:$0x3FAB]  }
0x2c: {  	s7 =	sld [smem:$0x3FAC]  }
0x2d: {  	s3 =	simm.s32 $0x108;
	s8 =	sld [smem:$0x3FAD]  }
0x2e: {  	s3 =	simm.s32 @!p0 $0x1082;
	s9 =	sld [smem:$0x3FAE]  }
0x2f: {  	lr =	sadd.s32 s0, s3;
	s0 =	sld [smem:$0x3FA5]  }
0x30: {  	s3 =	sld [smem:$0x3FA8]  }
0x31: {  	[smem:$0x3FB1] =	sst s10  }
0x32: {  	s10 =	sld [smem:$0x3FAF];
	_ =	sdelay $0x3  }
0x33: {  	p0 =	seq.s32 s10, $0x1;
	s10 =	sld [smem:$0x3FB1];
	_ =	sdelay $0x3  }
0x34: {  	[smem:$0x3FB1] =	sst s10  }
0x35: {  	s10 =	sld [smem:$0x3FB0];
	_ =	sdelay $0x3  }
0x36: {  	p1 =	seq.s32 s10, $0x1;
	s10 =	sld [smem:$0x3FB1];
	_ =	sdelay $0x3  }
0x37: {  	[smem:$0x3FB1] =	sst s10  }
0x38: {  	s10 =	sld [smem:$0x3FB2]  }
0x39: {  	_ = 	snop;
	(pc) =	sbr.ind lr, $3  }
0x3a: {  	_ = 	snop  }
0x3b: {  	_ = 	snop  }
0x3c: {  	p2 =	seq.s32 s10, $0x1;
	s10 =	sld [smem:$0x3FB1]  }
0x3d: {  	_ =	shalt  }
0x3e: {  	_ =	shalt  }
0x3f: {  	_ =	shalt  }
0x40: {  	_ =	shalt  }
0x41: {  	_ =	shalt  }
0x42: {  	_ =	shalt  }
0x43: {  	_ =	shalt  }
0x44: {  	_ =	shalt  }
0x45: {  	_ =	shalt  }
0x46: {  	_ =	shalt  }
0x47: {  	_ =	shalt  }
0x48: {  	_ =	shalt  }
0x49: {  	_ =	shalt  }
0x4a: {  	_ =	shalt  }
0x4b: {  	_ =	shalt  }
0x4c: {  	_ =	shalt  }
0x4d: {  	_ =	shalt  }
0x4e: {  	_ =	shalt  }
0x4f: {  	_ =	shalt  }
0x50: {  	_ =	shalt  }
0x51: {  	_ =	shalt  }
0x52: {  	_ =	shalt  }
0x53: {  	_ =	shalt  }
0x54: {  	_ =	shalt  }
0x55: {  	_ =	shalt  }
0x56: {  	_ =	shalt  }
0x57: {  	_ =	shalt  }
0x58: {  	_ =	shalt  }
0x59: {  	_ =	shalt  }
0x5a: {  	_ =	shalt  }
0x5b: {  	_ =	shalt  }
0x5c: {  	_ =	shalt  }
0x5d: {  	_ =	shalt  }
0x5e: {  	_ =	shalt  }
0x5f: {  	_ =	shalt  }
0x60: {  	_ =	shalt  }
0x61: {  	_ =	shalt  }
0x62: {  	_ =	shalt  }
0x63: {  	_ =	shalt  }
0x64: {  	_ =	shalt  }
0x65: {  	_ =	shalt  }
0x66: {  	_ =	shalt  }
0x67: {  	_ =	shalt  }
0x68: {  	_ =	shalt  }
0x69: {  	_ =	shalt  }
0x6a: {  	_ =	shalt  }
0x6b: {  	_ =	shalt  }
0x6c: {  	_ =	shalt  }
0x6d: {  	_ =	shalt  }
0x6e: {  	_ =	shalt  }
0x6f: {  	_ =	shalt  }
0x70: {  	_ =	shalt  }
0x71: {  	_ =	shalt  }
0x72: {  	_ =	shalt  }
0x73: {  	_ =	shalt  }
0x74: {  	_ =	shalt  }
0x75: {  	_ =	shalt  }
0x76: {  	_ =	shalt  }
0x77: {  	_ =	shalt  }
0x78: {  	_ =	shalt  }
0x79: {  	_ =	shalt  }
0x7a: {  	_ =	shalt  }
0x7b: {  	_ =	shalt  }
0x7c: {  	_ =	shalt  }
0x7d: {  	_ =	shalt  }
0x7e: {  	_ =	shalt  }
0x7f: {  	_ =	shalt  }
0x80: {  	_ =	shalt  }
0x81: {  	_ =	shalt  }
0x82: {  	_ =	shalt  }
0x83: {  	_ =	shalt  }
0x84: {  	_ =	shalt  }
0x85: {  	_ =	shalt  }
0x86: {  	_ =	shalt  }
0x87: {  	_ =	shalt  }
.Lfunc_end0:
.L_simem_size_0:
called_computation_lowered:
.L_overlay_start_0:
0x88: {  	s2 =	sld [smem:$0x3FD9]  }
0x89: {  	s3 =	sld [smem:$0x3FFE];
	_ =	sdelay $0x1  }
0x8a: {  	s1 =	srdreg.scid  }
0x8b: {  	s0 =	sand.u32 $0x1, s1  }
0x8c: {  	s17 =	sshll.u32 s0, $0xA;
	s2 =	sadd.s32 s3, s2  }
0x8d: {  	s2 =	sadd.s32 s2, s17  }
0x8e: {  	[smem:$0x3FBD] =	sst s2  }
0x8f: {  	_ = 	snop  }
0x90: {  	s2 =	sld [smem:$0x3FD0];
	(tm) =	ssettm $0x1  }
0x91: {  	s18 =	sld [smem:$0x3FFB];
	_ =	sdelay $0x3  }
0x92: {  	_ =	strace s18  }
0x93: {  	s3 =	sld [smem:$0x3FFC];
	_ =	sdelay $0x3  }
0x94: {  	_ =	strace s3  }
0x95: {  	s3 =	sld [smem:$0x3FFD];
	_ =	sdelay $0x3  }
0x96: {  	_ =	strace s3  }
0x97: {  	_ =	strace $0x8FFFFFFF  }
0x98: {  	s19 =	sld [smem:$0x3FDB];
	_ =	sdelay $0x1  }
0x99: {  	s4 =	simm.s32 $_scs_section_size  }
0x9a: {  	s5 =	simm.s32 $_size__tile_overlayer_lowered;
	s6 =	simm.s32 $_tile_overlayer_lowered  }
0x9b: {  	s22 =	simm.s32 $0x1BFF;
	s21 =	sshll.u32 s6, $0x1;
	s3 =	sadd.s32 s4, s19  }
0x9c: {  	s7 =	simm.s32 $0x0;
	s20 =	sshll.u32 s5, $0x1;
	s5 =	sadd.s32 s21, s3  }
0x9d: {  	[timem:s7], [sflag:s22] =	dma.local [hbm:s5], s20  }
0x9e: {  	_ =	swait.ge [sflag:s22], s20  }
0x9f: {  	s4 =	ssub.s32 $0x0, s20;
	[sflag:s22] =	ssyncset.done $0x0  }
0xa0: {  	[sflag:s22] =	ssyncadd.s32 s4;
	_ =	sdelay $0x1  }
0xa1: {  	s23 =	simm.s32 $0x1B8B  }
0xa2: {  	_ =	swait.ge [sflag:s23], $0x1  }
0xa3: {  	[sflag:s23] =	ssyncset.done $0x0  }
0xa4: {  	s25 =	simm.s32 $0x1B8E;
	s24 =	sld [smem:$0x3FFE];
	[sflag:s23] =	ssyncadd.s32 $0xFFFFFFFF  }
0xa5: {  	s26 =	simm.s32 $execute0_lowered;
	[smem:$0x3FD2] =	sst s25  }
0xa6: {  	s5 =	sshll.u32 s26, $0x1;
	_ =	strace $0x80000046;
	[dreg:$0x1] =	wrdreg $0xFFFFFFFF  }
0xa7: {  	s28 =	simm.s32 $_size_execute0_lowered;
	s3 =	sadd.s32 s3, s5;
	[dreg:$0x0] =	wrdreg $0x0  }
0xa8: {  	s5 =	sshll.u32 s28, $0x1;
	[dreg:$0x2] =	wrdreg s3  }
0xa9: {  	[dreg:$0x3] =	wrdreg s5  }
0xaa: {  	[dreg:$0x4] =	wrdreg $0xC0  }
0xab: {  	_ =	task [dreg:s7], $0x5FFFF  }
0xac: {  	[dreg:$0x1] =	wrdreg $0xFFFFFFFF  }
0xad: {  	[dreg:$0x0] =	wrdreg $0x60  }
0xae: {  	[dreg:$0x2] =	wrdreg s2  }
0xaf: {  	[dreg:$0x3] =	wrdreg s24  }
0xb0: {  	[dreg:$0x4] =	wrdreg $0x9  }
0xb1: {  	_ =	task.clear_ibuf [dreg:s7], $0x5FFFF;
	_ =	strace $0x90000046  }
0xb2: {  	s29 =	simm.s32 $0x9;
	_ =	strace $0x80000048  }
0xb3: {  	_ =	swait.ge [sflag:s29], $0x1  }
0xb4: {  	[sflag:s29] =	ssyncadd.s32 $0xFFFFFFFF  }
0xb5: {  	_ =	strace $0x90000048  }
0xb6: {  	_ =	sfence  }
0xb7: {  	s30 =	sld [smem:$0x0];
	_ =	sdelay $0x2  }
0xb8: {  	s31 =	sshll.u32 s1, $0xD;
	s1 =	sshrl.u32 s1, $0x2  }
0xb9: {  	s3 =	sand.u32 $0x4000, s31;
	s1 =	sadd.s32 s1, s30  }
0xba: {  	s0 =	sor.u32 s3, s0;
	s1 =	sshll.u32 s1, $0x11  }
0xbb: {  	s0 =	sor.u32 s1, s0  }
0xbc: {  	s0 =	sadd.s32 $0x8F2B, s0  }
0xbd: {  	[sflag:s0] =	ssyncadd.remote.s32 $0x1  }
0xbe: {  	_ =	sfence.sel $0xFFFF  }
0xbf: {  	[dreg:$0x0] =	wrdreg $0xFFFFFFFF;
	(pc) =	sbr.abs _section_cstart, $3  }
0xc0: {  	[dreg:$0x1] =	wrdreg $0xFFFFFFFF  }
0xc1: {  	_ =	task.clear_ibuf [dreg:s7], $0x2FFFF;
	_ =	strace $0x9FFFFFFF  }
0xc2: {  	(tm) =	ssettm $0x7FFFFFFF  }
0xc3: {  	_ =	shalt  }
tec
execute0_lowered:
.L_overlay_start_1:
0x0: {  	(tag) =	ssettag $0x1  }
0x1: {  	s2 =	rddreg [dreg:$0x0]  }
0x2: {  	s0 =	srdreg.scid;
	s1 =	rddreg [dreg:$0x1]  }
0x3: {  	s3 =	stileid.u32;
	s15 =	simm.s32 $0x3;
	s16 =	simm.s32 $0x80  }
0x4: {  	s17 =	simm.s32 $0x400;
	s18 =	simm.s32 $0x2400;
	s19 =	simm.s32 $0x800  }
0x5: {  	s28 =	simm.s32 $0x1800;
	s29 =	simm.s32 $0x3800;
	s30 =	simm.s32 $0x1C00  }
0x6: {  	s31 =	simm.s32 $0x3C00;
	s14 =	simm.s32 $0x2;
	s0 =	sand.u32 $0x1, s0  }
0x7: {  	s4 =	sshll.u32 s3, $0xB;
	s3 =	simm.s32 $0x0;
	s5 =	sshll.u32 s0, $0xA  }
0x8: {  	s0 =	ssub.s32 $0x2, s0;
	[smem:$0x7FF] =	sst s3;
	s4 =	sor.u32 s5, s4  }
0x9: {  	s20 =	sshrl.u32 s0, $0x1;
	_ =	strace $0x80000047;
	s1 =	sadd.s32 s4, s1  }
0xa: {  	s0 =	ssub.s32 s0, s20;
	s20 =	simm.s32 $0x2800;
	s21 =	sadd.s32 $0x9000, s1  }
0xb: {  	s4 =	simm.s32 $0x0;
	s22 =	sadd.s32 $0x1000, s1;
	[dreg:$0x3] =	wrdreg s21  }
0xc: {  	s23 =	sadd.s32 $0x1010, s1;
	s24 =	sadd.s32 $0x1020, s1;
	[dreg:$0x4] =	wrdreg s22  }
0xd: {  	s25 =	sadd.s32 $0x1030, s1;
	s26 =	sadd.s32 $0x1040, s1;
	[dreg:$0x5] =	wrdreg s23  }
0xe: {  	s10 =	sadd.s32 $0x1050, s1;
	s11 =	sadd.s32 $0x1060, s1;
	[dreg:$0x6] =	wrdreg s24  }
0xf: {  	s12 =	sadd.s32 $0x1070, s1;
	s13 =	smax.u32 s0, $0x1;
	[dreg:$0x7] =	wrdreg s25  }
0x10: {  	s0 =	simm.s32 $0x1;
	s1 =	simm.s32 $0x2000;
	[dreg:$0x8] =	wrdreg s26  }
0x11: {  	s21 =	simm.s32 $0xC00;
	s22 =	simm.s32 $0x2C00;
	s23 =	simm.s32 $0x1000  }
0x12: {  	s24 =	simm.s32 $0x3000;
	s25 =	simm.s32 $0x1400;
	s26 =	simm.s32 $0x3400  }
.LBB2_1:
0x13: {  	s5 =	rddreg [dreg:$0x3];
	s6 =	simm.s32 $0x4000  }
0x14: {  	[tilespmem:s6], [sflag:$0x3] =	stream.linear.gather [hbm4b:s5+s3], $0x2000, $0x38;
	[tilespmem:$0x6000] =	vst v63  }
0x15: {  	_ =	swait.ge [sflag:s15], $0x2000  }
0x16: {  	[sflag:s15] =	ssyncset.done $0x0  }
0x17: {  	s6 =	rddreg [dreg:$0x4];
	[sflag:s15] =	ssyncadd.s32 $0xFFFFE000  }
0x18: {  	[tilespmem:s3], [sflag:$0x3] =	stream.strided.gather [hbm4b:s6+s16], $0x400, s17, s16, $0x38;
	[tilespmem:$0x6000] =	vst v63  }
0x19: {  	_ =	swait.ge [sflag:s15], $0x400  }
0x1a: {  	[sflag:s15] =	ssyncset.done $0x0  }
0x1b: {  	[sflag:s15] =	ssyncadd.s32 $0xFFFFFC00  }
0x1c: {  	[tilespmem:s1], [sflag:$0x1] =	stream.indirect.gather [hbm4b:s2+s17], $0x1, s3, s17, $0xb8;
	[tilespmem:$0x6000] =	vst v63  }
0x1d: {  	s7 =	rddreg [dreg:$0x5]  }
0x1e: {  	[tilespmem:s17], [sflag:$0x3] =	stream.strided.gather [hbm4b:s7+s16], $0x400, s17, s16, $0x38;
	[tilespmem:$0x6000] =	vst v63  }
0x1f: {  	_ =	swait.ge [sflag:s15], $0x400  }
0x20: {  	[sflag:s15] =	ssyncset.done $0x0  }
0x21: {  	[sflag:s15] =	ssyncadd.s32 $0xFFFFFC00  }
0x22: {  	[tilespmem:s18], [sflag:$0x1] =	stream.indirect.gather [hbm4b:s2+s17], $0x1, s17, s17, $0xb8;
	[tilespmem:$0x6000] =	vst v63  }
0x23: {  	s8 =	rddreg [dreg:$0x6]  }
0x24: {  	[tilespmem:s19], [sflag:$0x3] =	stream.strided.gather [hbm4b:s8+s16], $0x400, s17, s16, $0x38;
	[tilespmem:$0x6000] =	vst v63  }
0x25: {  	_ =	swait.ge [sflag:s15], $0x400  }
0x26: {  	[sflag:s15] =	ssyncset.done $0x0  }
0x27: {  	[sflag:s15] =	ssyncadd.s32 $0xFFFFFC00  }
0x28: {  	[tilespmem:s20], [sflag:$0x1] =	stream.indirect.gather [hbm4b:s2+s17], $0x1, s19, s17, $0xb8;
	[tilespmem:$0x6000] =	vst v63  }
0x29: {  	s9 =	rddreg [dreg:$0x7]  }
0x2a: {  	[tilespmem:s21], [sflag:$0x3] =	stream.strided.gather [hbm4b:s9+s16], $0x400, s17, s16, $0x38;
	[tilespmem:$0x6000] =	vst v63  }
0x2b: {  	_ =	swait.ge [sflag:s15], $0x400  }
0x2c: {  	[sflag:s15] =	ssyncset.done $0x0  }
0x2d: {  	[sflag:s15] =	ssyncadd.s32 $0xFFFFFC00  }
0x2e: {  	[tilespmem:s22], [sflag:$0x1] =	stream.indirect.gather [hbm4b:s2+s17], $0x1, s21, s17, $0xb8;
	[tilespmem:$0x6000] =	vst v63  }
0x2f: {  	s6 =	rddreg [dreg:$0x8]  }
0x30: {  	[tilespmem:s23], [sflag:$0x3] =	stream.strided.gather [hbm4b:s6+s16], $0x400, s17, s16, $0x38;
	[tilespmem:$0x6000] =	vst v63  }
0x31: {  	_ =	swait.ge [sflag:s15], $0x400  }
0x32: {  	[sflag:s15] =	ssyncset.done $0x0  }
0x33: {  	[sflag:s15] =	ssyncadd.s32 $0xFFFFFC00  }
0x34: {  	[tilespmem:s24], [sflag:$0x1] =	stream.indirect.gather [hbm4b:s2+s17], $0x1, s23, s17, $0xb8;
	[tilespmem:$0x6000] =	vst v63  }
0x35: {  	_ = 	snop  }
0x36: {  	[tilespmem:s25], [sflag:$0x3] =	stream.strided.gather [hbm4b:s10+s16], $0x400, s17, s16, $0x38;
	[tilespmem:$0x6000] =	vst v63  }
0x37: {  	_ =	swait.ge [sflag:s15], $0x400  }
0x38: {  	[sflag:s15] =	ssyncset.done $0x0  }
0x39: {  	[sflag:s15] =	ssyncadd.s32 $0xFFFFFC00  }
0x3a: {  	[tilespmem:s26], [sflag:$0x1] =	stream.indirect.gather [hbm4b:s2+s17], $0x1, s25, s17, $0xb8;
	[tilespmem:$0x6000] =	vst v63  }
0x3b: {  	_ = 	snop  }
0x3c: {  	[tilespmem:s28], [sflag:$0x3] =	stream.strided.gather [hbm4b:s11+s16], $0x400, s17, s16, $0x38;
	[tilespmem:$0x6000] =	vst v63  }
0x3d: {  	_ =	swait.ge [sflag:s15], $0x400  }
0x3e: {  	[sflag:s15] =	ssyncset.done $0x0  }
0x3f: {  	[sflag:s15] =	ssyncadd.s32 $0xFFFFFC00  }
0x40: {  	[tilespmem:s29], [sflag:$0x1] =	stream.indirect.gather [hbm4b:s2+s17], $0x1, s28, s17, $0xb8;
	[tilespmem:$0x6000] =	vst v63  }
0x41: {  	_ = 	snop  }
0x42: {  	[tilespmem:s30], [sflag:$0x3] =	stream.strided.gather [hbm4b:s12+s16], $0x400, s17, s16, $0x38;
	[tilespmem:$0x6000] =	vst v63  }
0x43: {  	_ =	swait.ge [sflag:s15], $0x400  }
0x44: {  	[sflag:s15] =	ssyncset.done $0x0  }
0x45: {  	[sflag:s15] =	ssyncadd.s32 $0xFFFFFC00  }
0x46: {  	[tilespmem:s31], [sflag:$0x1] =	stream.indirect.gather [hbm4b:s2+s17], $0x1, s30, s17, $0xb8;
	[tilespmem:$0x6000] =	vst v63  }
0x47: {  	_ =	swait.ge [sflag:s0], $0x400  }
0x48: {  	s7 =	sand.u32 $0x70, s3;
	s8 =	sand.u32 $0x1C00, s3;
	[sflag:s0] =	ssyncset.done $0x0  }
0x49: {  	s5 =	sor.u32 s7, s8;
	[sflag:s0] =	ssyncadd.s32 $0xFFFFFC00  }
0x4a: {  	v0 =	vld [tilespmem:s5+$0x4000]  }
0x4b: {  	v1 =	vld [tilespmem:s1+$0x0];
	_ =	sdelay $0x4  }
0x4c: {  	s9 =	simm.s32 $0x10;
	s5 =	simm.s32 $0x80;
	v0 =	vadd.f32 v0, v1  }
0x4d: {  	s6 =	sand.u32 $0x70, s9;
	s7 =	sand.u32 $0x1C00, s5  }
0x4e: {  	s8 =	sor.u32 s6, s7;
	s7 =	simm.s32 $0x20;
	s6 =	simm.s32 $0x2000;
	[tilespmem:s1+$0x0] =	vst v0  }
.LBB2_2:
0x4f: {  	p0 =	sne.s32 s7, $0x3F0;
	v0 =	vld [tilespmem:s8+$0x4000];
	s6 =	sadd.s32 $0x10, s6  }
0x50: {  	v1 =	vld [tilespmem:s6+$0x0];
	_ =	sdelay $0x2  }
.Ltmp0:
0x51: {  	(pc) =	sbr.rel @p0 .LBB2_2-.Ltmp0, $4  }
0x52: {  	_ = 	snop  }
0x53: {  	s5 =	sadd.s32 $0x80, s5;
	v0 =	vadd.f32 v0, v1  }
0x54: {  	s8 =	sand.u32 $0x70, s7;
	s9 =	sand.u32 $0x1C00, s5  }
0x55: {  	s7 =	sadd.s32 $0x10, s7;
	s8 =	sor.u32 s8, s9;
	[tilespmem:s6+$0x0] =	vst v0  }
0x56: {  	v0 =	vld [tilespmem:s8+$0x4000];
	s5 =	sadd.s32 $0x10, s6  }
0x57: {  	v1 =	vld [tilespmem:s5+$0x0];
	_ =	sdelay $0x4  }
0x58: {  	v0 =	vadd.f32 v0, v1;
	_ =	sdelay $0x1  }
0x59: {  	[tilespmem:s5+$0x0] =	vst v0  }
0x5a: {  	s7 =	simm.s32 $0x0;
	_ =	swait.ge [sflag:s0], $0x400  }
0x5b: {  	s8 =	sand.u32 $0x70, s7;
	s5 =	sand.u32 $0x1C00, s7;
	[sflag:s0] =	ssyncset.done $0x0  }
0x5c: {  	s6 =	sor.u32 s8, s5;
	[sflag:s0] =	ssyncadd.s32 $0xFFFFFC00  }
0x5d: {  	s5 =	simm.s32 $0x2400;
	v62 =	vld [tilespmem:s6+$0x4080]  }
0x5e: {  	v63 =	vld [tilespmem:s5+$0x0];
	_ =	sdelay $0x4  }
0x5f: {  	s7 =	simm.s32 $0x10;
	s6 =	simm.s32 $0x80;
	v0 =	vadd.f32 v62, v63  }
0x60: {  	s7 =	sand.u32 $0x70, s7;
	s9 =	sand.u32 $0x1C00, s6  }
0x61: {  	s8 =	sor.u32 s7, s9;
	s7 =	simm.s32 $0x20;
	[tilespmem:s5+$0x0] =	vst v0  }
.LBB2_4:
0x62: {  	p0 =	sne.s32 s7, $0x3F0;
	v0 =	vld [tilespmem:s8+$0x4080];
	s5 =	sadd.s32 $0x10, s5  }
0x63: {  	v1 =	vld [tilespmem:s5+$0x0];
	_ =	sdelay $0x2  }
.Ltmp1:
0x64: {  	(pc) =	sbr.rel @p0 .LBB2_4-.Ltmp1, $4  }
0x65: {  	_ = 	snop  }
0x66: {  	s6 =	sadd.s32 $0x80, s6;
	v0 =	vadd.f32 v0, v1  }
0x67: {  	s8 =	sand.u32 $0x70, s7;
	s9 =	sand.u32 $0x1C00, s6  }
0x68: {  	s7 =	sadd.s32 $0x10, s7;
	s8 =	sor.u32 s8, s9;
	[tilespmem:s5+$0x0] =	vst v0  }
0x69: {  	v0 =	vld [tilespmem:s8+$0x4080];
	s5 =	sadd.s32 $0x10, s5  }
0x6a: {  	v1 =	vld [tilespmem:s5+$0x0];
	_ =	sdelay $0x4  }
0x6b: {  	v0 =	vadd.f32 v0, v1;
	_ =	sdelay $0x1  }
0x6c: {  	[tilespmem:s5+$0x0] =	vst v0  }
0x6d: {  	s8 =	simm.s32 $0x0;
	_ =	swait.ge [sflag:s0], $0x400  }
0x6e: {  	s6 =	sand.u32 $0x70, s8;
	s5 =	sand.u32 $0x1C00, s8;
	[sflag:s0] =	ssyncset.done $0x0  }
0x6f: {  	s6 =	sor.u32 s6, s5;
	[sflag:s0] =	ssyncadd.s32 $0xFFFFFC00  }
0x70: {  	s5 =	simm.s32 $0x2800;
	v62 =	vld [tilespmem:s6+$0x4100]  }
0x71: {  	v63 =	vld [tilespmem:s5+$0x0];
	_ =	sdelay $0x4  }
0x72: {  	s7 =	simm.s32 $0x10;
	s6 =	simm.s32 $0x80;
	v0 =	vadd.f32 v62, v63  }
0x73: {  	s7 =	sand.u32 $0x70, s7;
	s9 =	sand.u32 $0x1C00, s6  }
0x74: {  	s8 =	sor.u32 s7, s9;
	s7 =	simm.s32 $0x20;
	[tilespmem:s5+$0x0] =	vst v0  }
.LBB2_6:
0x75: {  	p0 =	sne.s32 s7, $0x3F0;
	v0 =	vld [tilespmem:s8+$0x4100];
	s5 =	sadd.s32 $0x10, s5  }
0x76: {  	v1 =	vld [tilespmem:s5+$0x0];
	_ =	sdelay $0x2  }
.Ltmp2:
0x77: {  	(pc) =	sbr.rel @p0 .LBB2_6-.Ltmp2, $4  }
0x78: {  	_ = 	snop  }
0x79: {  	s6 =	sadd.s32 $0x80, s6;
	v0 =	vadd.f32 v0, v1  }
0x7a: {  	s8 =	sand.u32 $0x70, s7;
	s9 =	sand.u32 $0x1C00, s6  }
0x7b: {  	s7 =	sadd.s32 $0x10, s7;
	s8 =	sor.u32 s8, s9;
	[tilespmem:s5+$0x0] =	vst v0  }
0x7c: {  	v0 =	vld [tilespmem:s8+$0x4100];
	s5 =	sadd.s32 $0x10, s5  }
0x7d: {  	v1 =	vld [tilespmem:s5+$0x0];
	_ =	sdelay $0x4  }
0x7e: {  	v0 =	vadd.f32 v0, v1;
	_ =	sdelay $0x1  }
0x7f: {  	[tilespmem:s5+$0x0] =	vst v0  }
0x80: {  	s8 =	simm.s32 $0x0;
	_ =	swait.ge [sflag:s0], $0x400  }
0x81: {  	s6 =	sand.u32 $0x70, s8;
	s5 =	sand.u32 $0x1C00, s8;
	[sflag:s0] =	ssyncset.done $0x0  }
0x82: {  	s6 =	sor.u32 s6, s5;
	[sflag:s0] =	ssyncadd.s32 $0xFFFFFC00  }
0x83: {  	s5 =	simm.s32 $0x2C00;
	v62 =	vld [tilespmem:s6+$0x4180]  }
0x84: {  	v63 =	vld [tilespmem:s5+$0x0];
	_ =	sdelay $0x4  }
0x85: {  	s7 =	simm.s32 $0x10;
	s6 =	simm.s32 $0x80;
	v0 =	vadd.f32 v62, v63  }
0x86: {  	s7 =	sand.u32 $0x70, s7;
	s9 =	sand.u32 $0x1C00, s6  }
0x87: {  	s8 =	sor.u32 s7, s9;
	s7 =	simm.s32 $0x20;
	[tilespmem:s5+$0x0] =	vst v0  }
.LBB2_8:
0x88: {  	p0 =	sne.s32 s7, $0x3F0;
	v0 =	vld [tilespmem:s8+$0x4180];
	s5 =	sadd.s32 $0x10, s5  }
0x89: {  	v1 =	vld [tilespmem:s5+$0x0];
	_ =	sdelay $0x2  }
.Ltmp3:
0x8a: {  	(pc) =	sbr.rel @p0 .LBB2_8-.Ltmp3, $4  }
0x8b: {  	_ = 	snop  }
0x8c: {  	s6 =	sadd.s32 $0x80, s6;
	v0 =	vadd.f32 v0, v1  }
0x8d: {  	s8 =	sand.u32 $0x70, s7;
	s9 =	sand.u32 $0x1C00, s6  }
0x8e: {  	s7 =	sadd.s32 $0x10, s7;
	s8 =	sor.u32 s8, s9;
	[tilespmem:s5+$0x0] =	vst v0  }
0x8f: {  	v0 =	vld [tilespmem:s8+$0x4180];
	s5 =	sadd.s32 $0x10, s5  }
0x90: {  	v1 =	vld [tilespmem:s5+$0x0];
	_ =	sdelay $0x4  }
0x91: {  	v0 =	vadd.f32 v0, v1;
	_ =	sdelay $0x1  }
0x92: {  	[tilespmem:s5+$0x0] =	vst v0  }
0x93: {  	s8 =	simm.s32 $0x0;
	_ =	swait.ge [sflag:s0], $0x400  }
0x94: {  	s6 =	sand.u32 $0x70, s8;
	s5 =	sand.u32 $0x1C00, s8;
	[sflag:s0] =	ssyncset.done $0x0  }
0x95: {  	s6 =	sor.u32 s6, s5;
	[sflag:s0] =	ssyncadd.s32 $0xFFFFFC00  }
0x96: {  	s5 =	simm.s32 $0x3000;
	v62 =	vld [tilespmem:s6+$0x4200]  }
0x97: {  	v63 =	vld [tilespmem:s5+$0x0];
	_ =	sdelay $0x4  }
0x98: {  	s7 =	simm.s32 $0x10;
	s6 =	simm.s32 $0x80;
	v0 =	vadd.f32 v62, v63  }
0x99: {  	s7 =	sand.u32 $0x70, s7;
	s9 =	sand.u32 $0x1C00, s6  }
0x9a: {  	s8 =	sor.u32 s7, s9;
	s7 =	simm.s32 $0x20;
	[tilespmem:s5+$0x0] =	vst v0  }
.LBB2_10:
0x9b: {  	p0 =	sne.s32 s7, $0x3F0;
	v0 =	vld [tilespmem:s8+$0x4200];
	s5 =	sadd.s32 $0x10, s5  }
0x9c: {  	v1 =	vld [tilespmem:s5+$0x0];
	_ =	sdelay $0x2  }
.Ltmp4:
0x9d: {  	(pc) =	sbr.rel @p0 .LBB2_10-.Ltmp4, $4  }
0x9e: {  	_ = 	snop  }
0x9f: {  	s6 =	sadd.s32 $0x80, s6;
	v0 =	vadd.f32 v0, v1  }
0xa0: {  	s8 =	sand.u32 $0x70, s7;
	s9 =	sand.u32 $0x1C00, s6  }
0xa1: {  	s7 =	sadd.s32 $0x10, s7;
	s8 =	sor.u32 s8, s9;
	[tilespmem:s5+$0x0] =	vst v0  }
0xa2: {  	v0 =	vld [tilespmem:s8+$0x4200];
	s5 =	sadd.s32 $0x10, s5  }
0xa3: {  	v1 =	vld [tilespmem:s5+$0x0];
	_ =	sdelay $0x4  }
0xa4: {  	v0 =	vadd.f32 v0, v1;
	_ =	sdelay $0x1  }
0xa5: {  	[tilespmem:s5+$0x0] =	vst v0  }
0xa6: {  	s8 =	simm.s32 $0x0;
	_ =	swait.ge [sflag:s0], $0x400  }
0xa7: {  	s6 =	sand.u32 $0x70, s8;
	s5 =	sand.u32 $0x1C00, s8;
	[sflag:s0] =	ssyncset.done $0x0  }
0xa8: {  	s6 =	sor.u32 s6, s5;
	[sflag:s0] =	ssyncadd.s32 $0xFFFFFC00  }
0xa9: {  	s5 =	simm.s32 $0x3400;
	v62 =	vld [tilespmem:s6+$0x4280]  }
0xaa: {  	v63 =	vld [tilespmem:s5+$0x0];
	_ =	sdelay $0x4  }
0xab: {  	s7 =	simm.s32 $0x10;
	s6 =	simm.s32 $0x80;
	v0 =	vadd.f32 v62, v63  }
0xac: {  	s7 =	sand.u32 $0x70, s7;
	s9 =	sand.u32 $0x1C00, s6  }
0xad: {  	s8 =	sor.u32 s7, s9;
	s7 =	simm.s32 $0x20;
	[tilespmem:s5+$0x0] =	vst v0  }
.LBB2_12:
0xae: {  	p0 =	sne.s32 s7, $0x3F0;
	v0 =	vld [tilespmem:s8+$0x4280];
	s5 =	sadd.s32 $0x10, s5  }
0xaf: {  	v1 =	vld [tilespmem:s5+$0x0];
	_ =	sdelay $0x2  }
.Ltmp5:
0xb0: {  	(pc) =	sbr.rel @p0 .LBB2_12-.Ltmp5, $4  }
0xb1: {  	_ = 	snop  }
0xb2: {  	s6 =	sadd.s32 $0x80, s6;
	v0 =	vadd.f32 v0, v1  }
0xb3: {  	s8 =	sand.u32 $0x70, s7;
	s9 =	sand.u32 $0x1C00, s6  }
0xb4: {  	s7 =	sadd.s32 $0x10, s7;
	s8 =	sor.u32 s8, s9;
	[tilespmem:s5+$0x0] =	vst v0  }
0xb5: {  	v0 =	vld [tilespmem:s8+$0x4280];
	s5 =	sadd.s32 $0x10, s5  }
0xb6: {  	v1 =	vld [tilespmem:s5+$0x0];
	_ =	sdelay $0x4  }
0xb7: {  	v0 =	vadd.f32 v0, v1;
	_ =	sdelay $0x1  }
0xb8: {  	[tilespmem:s5+$0x0] =	vst v0  }
0xb9: {  	s8 =	simm.s32 $0x0;
	_ =	swait.ge [sflag:s0], $0x400  }
0xba: {  	s6 =	sand.u32 $0x70, s8;
	s5 =	sand.u32 $0x1C00, s8;
	[sflag:s0] =	ssyncset.done $0x0  }
0xbb: {  	s6 =	sor.u32 s6, s5;
	[sflag:s0] =	ssyncadd.s32 $0xFFFFFC00  }
0xbc: {  	s5 =	simm.s32 $0x3800;
	v62 =	vld [tilespmem:s6+$0x4300]  }
0xbd: {  	v63 =	vld [tilespmem:s5+$0x0];
	_ =	sdelay $0x4  }
0xbe: {  	s7 =	simm.s32 $0x10;
	s6 =	simm.s32 $0x80;
	v0 =	vadd.f32 v62, v63  }
0xbf: {  	s7 =	sand.u32 $0x70, s7;
	s9 =	sand.u32 $0x1C00, s6  }
0xc0: {  	s8 =	sor.u32 s7, s9;
	s7 =	simm.s32 $0x20;
	[tilespmem:s5+$0x0] =	vst v0  }
.LBB2_14:
0xc1: {  	p0 =	sne.s32 s7, $0x3F0;
	v0 =	vld [tilespmem:s8+$0x4300];
	s5 =	sadd.s32 $0x10, s5  }
0xc2: {  	v1 =	vld [tilespmem:s5+$0x0];
	_ =	sdelay $0x2  }
.Ltmp6:
0xc3: {  	(pc) =	sbr.rel @p0 .LBB2_14-.Ltmp6, $4  }
0xc4: {  	_ = 	snop  }
0xc5: {  	s6 =	sadd.s32 $0x80, s6;
	v0 =	vadd.f32 v0, v1  }
0xc6: {  	s8 =	sand.u32 $0x70, s7;
	s9 =	sand.u32 $0x1C00, s6  }
0xc7: {  	s7 =	sadd.s32 $0x10, s7;
	s8 =	sor.u32 s8, s9;
	[tilespmem:s5+$0x0] =	vst v0  }
0xc8: {  	v0 =	vld [tilespmem:s8+$0x4300];
	s5 =	sadd.s32 $0x10, s5  }
0xc9: {  	v1 =	vld [tilespmem:s5+$0x0];
	_ =	sdelay $0x4  }
0xca: {  	v0 =	vadd.f32 v0, v1;
	_ =	sdelay $0x1  }
0xcb: {  	[tilespmem:s5+$0x0] =	vst v0  }
0xcc: {  	s9 =	simm.s32 $0x0;
	_ =	swait.ge [sflag:s0], $0x400  }
0xcd: {  	s5 =	sor.u32 s9, s9;
	[sflag:s0] =	ssyncset.done $0x0  }
0xce: {  	s6 =	sor.u32 $0x380, s5;
	[sflag:s0] =	ssyncadd.s32 $0xFFFFFC00  }
0xcf: {  	s5 =	simm.s32 $0x3C00;
	v62 =	vld [tilespmem:s6+$0x4000]  }
0xd0: {  	v63 =	vld [tilespmem:s5+$0x0];
	_ =	sdelay $0x4  }
0xd1: {  	s7 =	simm.s32 $0x10;
	s6 =	simm.s32 $0x80;
	v0 =	vadd.f32 v62, v63  }
0xd2: {  	s7 =	sor.u32 s6, s7  }
0xd3: {  	s8 =	sor.u32 $0x380, s7;
	s7 =	simm.s32 $0x20;
	[tilespmem:s5+$0x0] =	vst v0  }
.LBB2_16:
0xd4: {  	p0 =	sne.s32 s7, $0x3F0;
	v0 =	vld [tilespmem:s8+$0x4000];
	s5 =	sadd.s32 $0x10, s5  }
0xd5: {  	v1 =	vld [tilespmem:s5+$0x0];
	_ =	sdelay $0x2  }
.Ltmp7:
0xd6: {  	(pc) =	sbr.rel @p0 .LBB2_16-.Ltmp7, $4  }
0xd7: {  	_ = 	snop  }
0xd8: {  	s6 =	sadd.s32 $0x80, s6;
	v0 =	vadd.f32 v0, v1  }
0xd9: {  	s8 =	sor.u32 s6, s7  }
0xda: {  	s7 =	sadd.s32 $0x10, s7;
	s8 =	sor.u32 $0x380, s8;
	[tilespmem:s5+$0x0] =	vst v0  }
0xdb: {  	v0 =	vld [tilespmem:s8+$0x4000];
	s5 =	sadd.s32 $0x10, s5  }
0xdc: {  	v1 =	vld [tilespmem:s5+$0x0];
	_ =	sdelay $0x4  }
0xdd: {  	v0 =	vadd.f32 v0, v1;
	_ =	sdelay $0x1  }
0xde: {  	[tilespmem:s5+$0x0] =	vst v0  }
0xdf: {  	[hbm4b:s2+s17] =	stream.indirect.scatter [tilespmem:s1], [sflag:$0x2], $0x1, s3, s17, $0xb8;
	[tilespmem:$0x6000] =	vst v63  }
0xe0: {  	_ = 	snop  }
0xe1: {  	[hbm4b:s2+s17] =	stream.indirect.scatter [tilespmem:s18], [sflag:$0x2], $0x1, s17, s17, $0xb8;
	[tilespmem:$0x6000] =	vst v63  }
0xe2: {  	_ = 	snop  }
0xe3: {  	[hbm4b:s2+s17] =	stream.indirect.scatter [tilespmem:s20], [sflag:$0x2], $0x1, s19, s17, $0xb8;
	[tilespmem:$0x6000] =	vst v63  }
0xe4: {  	_ = 	snop  }
0xe5: {  	[hbm4b:s2+s17] =	stream.indirect.scatter [tilespmem:s22], [sflag:$0x2], $0x1, s21, s17, $0xb8;
	[tilespmem:$0x6000] =	vst v63  }
0xe6: {  	_ = 	snop  }
0xe7: {  	[hbm4b:s2+s17] =	stream.indirect.scatter [tilespmem:s24], [sflag:$0x2], $0x1, s23, s17, $0xb8;
	[tilespmem:$0x6000] =	vst v63  }
0xe8: {  	_ = 	snop  }
0xe9: {  	[hbm4b:s2+s17] =	stream.indirect.scatter [tilespmem:s26], [sflag:$0x2], $0x1, s25, s17, $0xb8;
	[tilespmem:$0x6000] =	vst v63  }
0xea: {  	_ = 	snop  }
0xeb: {  	[hbm4b:s2+s17] =	stream.indirect.scatter [tilespmem:s29], [sflag:$0x2], $0x1, s28, s17, $0xb8;
	[tilespmem:$0x6000] =	vst v63  }
0xec: {  	_ = 	snop  }
0xed: {  	[hbm4b:s2+s17] =	stream.indirect.scatter [tilespmem:s31], [sflag:$0x2], $0x1, s30, s17, $0xb8;
	[tilespmem:$0x6000] =	vst v63  }
0xee: {  	_ =	swait.ge [sflag:s14], $0x400  }
0xef: {  	[sflag:s14] =	ssyncset.done $0x0  }
0xf0: {  	[sflag:s14] =	ssyncadd.s32 $0xFFFFFC00  }
0xf1: {  	_ =	swait.ge [sflag:s14], $0x400  }
0xf2: {  	[sflag:s14] =	ssyncset.done $0x0  }
0xf3: {  	[sflag:s14] =	ssyncadd.s32 $0xFFFFFC00  }
0xf4: {  	_ =	swait.ge [sflag:s14], $0x400  }
0xf5: {  	[sflag:s14] =	ssyncset.done $0x0  }
0xf6: {  	[sflag:s14] =	ssyncadd.s32 $0xFFFFFC00  }
0xf7: {  	_ =	swait.ge [sflag:s14], $0x400  }
0xf8: {  	[sflag:s14] =	ssyncset.done $0x0  }
0xf9: {  	[sflag:s14] =	ssyncadd.s32 $0xFFFFFC00  }
0xfa: {  	_ =	swait.ge [sflag:s14], $0x400  }
0xfb: {  	[sflag:s14] =	ssyncset.done $0x0  }
0xfc: {  	[sflag:s14] =	ssyncadd.s32 $0xFFFFFC00  }
0xfd: {  	_ =	swait.ge [sflag:s14], $0x400  }
0xfe: {  	[sflag:s14] =	ssyncset.done $0x0  }
0xff: {  	s4 =	sadd.s32 $0x1, s4;
	[sflag:s14] =	ssyncadd.s32 $0xFFFFFC00  }
0x100: {  	p0 =	sne.s32 s4, s13;
	_ =	swait.ge [sflag:s14], $0x400  }
.Ltmp8:
0x101: {  	[sflag:s14] =	ssyncset.done $0x0;
	(pc) =	sbr.rel @p0 .LBB2_1-.Ltmp8, $4  }
0x102: {  	[sflag:s14] =	ssyncadd.s32 $0xFFFFFC00  }
0x103: {  	_ =	swait.ge [sflag:s14], $0x400  }
0x104: {  	[sflag:s14] =	ssyncset.done $0x0  }
0x105: {  	[sflag:s14] =	ssyncadd.s32 $0xFFFFFC00  }
0x106: {  	_ =	sfence.sel $0x180000  }
0x107: {  	[bflag:$0x0] =	sbarrier.arrive $0xFFFF  }
0x108: {  	_ =	strace $0x90000047  }
0x109: {  	s0 =	stileid.u32;
	[bflag:$0x2] =	sbarrier.arrive $0xFFFF  }
0x10a: {  	p0 =	sne.s32 s0, $0x0;
	s0 =	rddreg [dreg:$0x2]  }
0x10b: {  	s0 =	sadd.s32 @!p0 $0x100000, s0  }
0x10c: {  	[sflag:s0] =	ssyncadd.tile.s32 @!p0 $0x1;
	_ =	shalt  }
.Lfunc_end2:
_tile_overlayer_lowered:
.L_overlay_start_2:
0x10d: {  	(tag) =	ssettag $0x2  }
0x10e: {  	s0 =	rddreg [dreg:$0x0];
	s2 =	stileid.u32  }
0x10f: {  	s1 =	rddreg [dreg:$0x1];
	p0 =	sne.s32 s2, $0x0  }
0x110: {  	s3 =	rddreg [dreg:$0x2];
	[bflag:$0x3] =	sbarrier.arrive $0xFFFF;
	s2 =	simm.s32 @!p0 $0x1C03  }
0x111: {  	[timem:s3], [sflag:s2] =	dma.local @!p0 [hbm:s0], s1  }
0x112: {  	s0 =	simm.s32 @!p0 $0x3  }
0x113: {  	_ =	swait.ge @!p0 [sflag:s0], s1  }
0x114: {  	s1 =	ssub.s32 @!p0 $0x0, s1;
	[sflag:s0] =	ssyncset.done @!p0 $0x0  }
0x115: {  	[sflag:s0] =	ssyncadd.s32 @!p0 s1  }
0x116: {  	[bflag:$0x3] =	sbarrier.arrive $0xFFFF  }
0x117: {  	_ =	shalt  }

</sc_bundles>
